<compile_context>
chip_gen: v7x
topology: tpu7x:2x2x1
jax: 0.10.2.dev20260603
libtpu: 0.0.44.dev20260713+nightly
codegen_flags: <defaults>
</compile_context>

<pallas_src>
import functools

import jax
import jax.numpy as jnp
from jax import lax
from jax.experimental import pallas as pl
from jax.experimental.pallas import tpu as pltpu
from jax.experimental.pallas import tpu_sc as plsc

N_NODES = 10000
N_EDGES = 320000
D_IN = 128
D_HID = 16
D_OUT = 128

NC = 2
NS = 16
NW = NC * NS
CHUNK = 128
N_CHUNKS = N_EDGES // CHUNK
CH = N_CHUNKS // NW
N_REM = N_CHUNKS - CH * NW

N_PAD = 10240
ROWS_PER_SUB = N_PAD // NS
MAC = 13
NMAC = CH // MAC
NBUF = 3


def _segsum(h, e_main, e_rem):
    mesh = plsc.VectorSubcoreMesh(core_axis_name="c", subcore_axis_name="s")
    MB = MAC * CHUNK

    @functools.partial(
        pl.kernel,
        mesh=mesh,
        compiler_params=pltpu.CompilerParams(use_tc_tiling_on_sc=False),
        out_type=jax.ShapeDtypeStruct((NC, N_PAD, D_HID), jnp.float32),
        scratch_types=[
            pltpu.VMEM((NMAC, MB), jnp.int32),
            pltpu.VMEM((NMAC, MB), jnp.int32),
            pltpu.VMEM((2, CHUNK), jnp.int32),
            pltpu.VMEM((NBUF, MB, D_HID), jnp.float32),
            pltpu.VMEM((ROWS_PER_SUB, D_HID), jnp.float32),
            pltpu.VMEM_SHARED((N_PAD, D_HID), jnp.float32),
        ] + [pltpu.SemaphoreType.DMA] * (2 * NBUF),
    )
    def segsum_kernel(h_hbm, e_hbm, er_hbm, out_hbm,
                      src_v, dst_v, rem_v, msg_v, zero_v, acc_sh, *sems):
        gs = sems[:NBUF]
        ss = sems[NBUF:]
        c = lax.axis_index("c")
        s = lax.axis_index("s")
        wid = c * NS + s

        pltpu.async_copy(e_hbm.at[0, wid], src_v, gs[0])
        pltpu.async_copy(e_hbm.at[1, wid], dst_v, ss[0])

        zval = jnp.zeros((D_HID,), jnp.float32)

        @pl.loop(0, ROWS_PER_SUB)
        def _zero(i):
            zero_v[i, :] = zval

        def gather(m, b):
            pltpu.async_copy(h_hbm.at[src_v.at[m]], msg_v.at[b], gs[b])

        def wait_gather(b):
            pltpu.make_async_copy(h_hbm.at[src_v.at[0]], msg_v.at[b],
                                  gs[b]).wait()

        def scatter(m, b):
            pltpu.async_copy(msg_v.at[b], acc_sh.at[dst_v.at[m]],
                             ss[b], add=True)

        def wait_scatter(b):
            pltpu.make_async_copy(msg_v.at[b], acc_sh.at[dst_v.at[0]],
                                  ss[b]).wait()

        pltpu.make_async_copy(e_hbm.at[0, wid], src_v, gs[0]).wait()
        for b in range(NBUF):
            gather(b, b)

        pltpu.sync_copy(zero_v, acc_sh.at[pl.ds(s * ROWS_PER_SUB, ROWS_PER_SUB)])

        pltpu.make_async_copy(e_hbm.at[1, wid], dst_v, ss[0]).wait()

        @pl.when(wid < N_REM)
        def _rem_idx():
            pltpu.sync_copy(er_hbm.at[0, pl.ds(wid, 1)],
                            rem_v.at[pl.ds(0, 1)])
            pltpu.sync_copy(er_hbm.at[1, pl.ds(wid, 1)],
                            rem_v.at[pl.ds(1, 1)])

        plsc.subcore_barrier()

        for m in range(NMAC):
            b = m % NBUF
            wait_gather(b)
            scatter(m, b)
            if m + NBUF < NMAC:
                wait_scatter(b)
                gather(m + NBUF, b)
        for m in range(NMAC - NBUF, NMAC):
            wait_scatter(m % NBUF)

        @pl.when(wid < N_REM)
        def _rem_edges():
            pltpu.sync_copy(h_hbm.at[rem_v.at[0]],
                            msg_v.at[0, pl.ds(0, CHUNK)])
            pltpu.sync_copy(msg_v.at[0, pl.ds(0, CHUNK)],
                            acc_sh.at[rem_v.at[1]], add=True)

        plsc.subcore_barrier()
        pltpu.sync_copy(
            acc_sh.at[pl.ds(s * ROWS_PER_SUB, ROWS_PER_SUB)],
            out_hbm.at[c, pl.ds(s * ROWS_PER_SUB, ROWS_PER_SUB)],
        )

    return segsum_kernel(h, e_main, e_rem)



def _project_in(features, W1):
    rows = N_NODES * D_HID // 128

    def body(f_ref, w_ref, o_ref):
        f2 = jnp.concatenate([f_ref[:, a, :] for a in range(8)], axis=1)
        o_ref[...] = jnp.dot(f2, w_ref[...],
                             preferred_element_type=jnp.float32)

    w_blk = jnp.kron(jnp.eye(8, dtype=jnp.float32), W1)
    return pl.pallas_call(
        body,
        out_shape=jax.ShapeDtypeStruct((rows, 128), jnp.float32),
    )(features.reshape(rows, 8, D_IN), w_blk).reshape(N_NODES, D_HID)


def _bias_relu(p, b1):
    rows = N_PAD * D_HID // 128

    def body(p_ref, b_ref, o_ref):
        o_ref[...] = jnp.maximum(p_ref[0] + p_ref[1] + b_ref[...], 0.0)

    b_wide = jnp.tile(b1, 128 // D_HID).reshape(1, 128)
    return pl.pallas_call(
        body,
        out_shape=jax.ShapeDtypeStruct((rows, 128), jnp.float32),
    )(p.reshape(NC, rows, 128), b_wide).reshape(N_PAD, D_HID)


def _project_out(q, W2, b2):
    rows = N_PAD * D_HID // 128
    out_r = N_NODES // 8

    def body(q_ref, w_ref, b_ref, o_ref):
        agg2 = q_ref[0, :out_r, :] + q_ref[1, :out_r, :]
        out_flat = jnp.dot(agg2, w_ref[...],
                           preferred_element_type=jnp.float32)
        for a in range(8):
            o_ref[:, a, :] = (out_flat[:, 128 * a:128 * (a + 1)]
                              + b_ref[...])

    w_blk = jnp.kron(jnp.eye(8, dtype=jnp.float32), W2)
    return pl.pallas_call(
        body,
        out_shape=jax.ShapeDtypeStruct((out_r, 8, D_OUT), jnp.float32),
    )(q.reshape(NC, rows, 128), w_blk,
      b2.reshape(1, D_OUT)).reshape(N_NODES, D_OUT)


def kernel(features, edge_index, W1, b1, W2, b2):
    ef = edge_index.astype(jnp.int32)
    n_main = NW * CH * CHUNK
    e_main = ef[:, :n_main].reshape(2, NW, NMAC, MAC * CHUNK)
    e_rem = ef[:, n_main:].reshape(2, N_REM, CHUNK)

    h = _project_in(features, W1)
    p = _segsum(h, e_main, e_rem)
    x = _bias_relu(p, b1)
    q = _segsum(x, e_main, e_rem)
    return _project_out(q, W2, b2)

# --- scband reference (transcript-rebuilt; emitter-appended) ---
"""Pipeline reference for scband-net-317827580689 (READ-ONLY COPY).

The authoritative reference and input builder live on the scoring server;
editing this copy changes nothing except your own understanding.
"""

import jax, jax.numpy as jnp
import numpy as np

N_NODES = 10000
N_EDGES = 320000
D_IN = 128
D_HID = 16
D_OUT = 128


def setup_inputs(seed: int = 0) -> dict:
    key = jax.random.key(seed)
    k_feat, k_edge, k_w1, k_b1, k_w2, k_b2 = jax.random.split(key, 6)
    features = jax.random.normal(k_feat, (N_NODES, D_IN), dtype=jnp.float32)
    edge_index = jax.random.randint(k_edge, (2, N_EDGES), 0, N_NODES, dtype=jnp.int64)
    # Layer 1: Linear(D_IN, D_HID); Layer 2: Linear(D_HID, D_OUT)
    W1 = jax.random.normal(k_w1, (D_IN, D_HID), dtype=jnp.float32) * (1.0 / np.sqrt(D_IN))
    b1 = jax.random.normal(k_b1, (D_HID,), dtype=jnp.float32) * 0.01
    W2 = jax.random.normal(k_w2, (D_HID, D_OUT), dtype=jnp.float32) * (1.0 / np.sqrt(D_HID))
    b2 = jax.random.normal(k_b2, (D_OUT,), dtype=jnp.float32) * 0.01
    return {"features": features, "edge_index": edge_index, "W1": W1, "b1": b1, "W2": W2, "b2": b2}


def _gcn_layer(features, src, dst, W, b, n_nodes):
    # DGL copy_src + sum reduce: aggregate source features into destination nodes
    msgs = jnp.take(features, src, axis=0)            # gather: copy_src(src='h', out='m')
    agg = jax.ops.segment_sum(msgs, dst, num_segments=n_nodes)  # fn.sum(msg='m', out='h')
    return agg @ W + b                                 # self.linear(h)


def reference(features, edge_index, W1, b1, W2, b2):
    src = edge_index[0]
    dst = edge_index[1]
    n_nodes = features.shape[0]
    x = _gcn_layer(features, src, dst, W1, b1, n_nodes)
    x = jax.nn.relu(x)
    x = _gcn_layer(x, src, dst, W2, b2, n_nodes)
    return x

if __name__ == "__main__":
    import jax
    _d = setup_inputs()
    print(jax.jit(kernel)(*tuple(_d.values())))

</pallas_src>

<mosaic_0001>
#map = affine_map<(d0, d1) -> (0, 0)>
#map1 = affine_map<(d0, d1) -> (0, 0, 0, 0)>
#map2 = affine_map<(d0, d1) -> (0, 0, 0)>
module attributes {stable_mosaic.version = 14 : i64} {
  func.func @segsum_kernel(%arg0: i32, %arg1: i32, %arg2: memref<10000x16xf32, #tpu.memory_space<hbm>>, %arg3: memref<2x32x6x1664xi32, #tpu.memory_space<hbm>>, %arg4: memref<2x4x128xi32, #tpu.memory_space<hbm>>, %arg5: memref<2x10240x16xf32, #tpu.memory_space<hbm>>, %arg6: memref<6x1664xi32, #tpu.memory_space<vmem>>, %arg7: memref<6x1664xi32, #tpu.memory_space<vmem>>, %arg8: memref<2x128xi32, #tpu.memory_space<vmem>>, %arg9: memref<3x1664x16xf32, #tpu.memory_space<vmem>>, %arg10: memref<640x16xf32, #tpu.memory_space<vmem>>, %arg11: memref<10240x16xf32, #tpu.memory_space<vmem_shared>>, %arg12: memref<!tpu.dma_semaphore, #tpu.memory_space<semaphore_mem>>, %arg13: memref<!tpu.dma_semaphore, #tpu.memory_space<semaphore_mem>>, %arg14: memref<!tpu.dma_semaphore, #tpu.memory_space<semaphore_mem>>, %arg15: memref<!tpu.dma_semaphore, #tpu.memory_space<semaphore_mem>>, %arg16: memref<!tpu.dma_semaphore, #tpu.memory_space<semaphore_mem>>, %arg17: memref<!tpu.dma_semaphore, #tpu.memory_space<semaphore_mem>>) attributes {dimension_semantics = [#tpu.dimension_semantics<core_parallel>, #tpu.dimension_semantics<subcore_parallel>], iteration_bounds = array<i64: 2, 16>, scalar_prefetch = 0 : i64, scratch_operands = 12 : i64, tpu.core_type = #tpu.core_type<sc_vector_subcore>, window_params = [{transform_indices = #map}, {transform_indices = #map1}, {transform_indices = #map2}, {transform_indices = #map2}]} {
    %mul3A = arith.constant 16 : i32
    %mul3A_0 = arith.muli %arg0, %mul3A : i32
    %add3A = arith.addi %mul3A_0, %arg1 : i32
    %dma_start3A = arith.constant 0 : i32
    %dma_start3A_1 = arith.constant 0 : i32
    %dma_start3A_2 = arith.constant 0 : i32
    %dma_start3A_3 = tpu.memref_slice %arg3[%dma_start3A, %add3A, %dma_start3A_1, %dma_start3A_2] : memref<2x32x6x1664xi32, #tpu.memory_space<hbm>> -> memref<1x1x6x1664xi32, #tpu.memory_space<hbm>>
    %dma_start3A_4 = tpu.memref_squeeze %dma_start3A_3 : memref<1x1x6x1664xi32, #tpu.memory_space<hbm>> -> memref<6x1664xi32, #tpu.memory_space<hbm>>
    %dma_start3A_5 = arith.constant 0 : i32
    %dma_start3A_6 = arith.constant 0 : i32
    %dma_start3A_7 = tpu.memref_slice %arg3[%dma_start3A, %add3A, %dma_start3A_5, %dma_start3A_6] : memref<2x32x6x1664xi32, #tpu.memory_space<hbm>> -> memref<1x1x6x1664xi32, #tpu.memory_space<hbm>>
    %dma_start3A_8 = tpu.memref_squeeze %dma_start3A_7 : memref<1x1x6x1664xi32, #tpu.memory_space<hbm>> -> memref<6x1664xi32, #tpu.memory_space<hbm>>
    tpu.enqueue_dma source(%dma_start3A_8 : memref<6x1664xi32, #tpu.memory_space<hbm>>) target(%arg6 : memref<6x1664xi32, #tpu.memory_space<vmem>>) target_semaphore(%arg12 : memref<!tpu.dma_semaphore, #tpu.memory_space<semaphore_mem>>)
    %dma_start3A_9 = arith.constant 1 : i32
    %dma_start3A_10 = arith.constant 0 : i32
    %dma_start3A_11 = arith.constant 0 : i32
    %dma_start3A_12 = tpu.memref_slice %arg3[%dma_start3A_9, %add3A, %dma_start3A_10, %dma_start3A_11] : memref<2x32x6x1664xi32, #tpu.memory_space<hbm>> -> memref<1x1x6x1664xi32, #tpu.memory_space<hbm>>
    %dma_start3A_13 = tpu.memref_squeeze %dma_start3A_12 : memref<1x1x6x1664xi32, #tpu.memory_space<hbm>> -> memref<6x1664xi32, #tpu.memory_space<hbm>>
    %dma_start3A_14 = arith.constant 0 : i32
    %dma_start3A_15 = arith.constant 0 : i32
    %dma_start3A_16 = tpu.memref_slice %arg3[%dma_start3A_9, %add3A, %dma_start3A_14, %dma_start3A_15] : memref<2x32x6x1664xi32, #tpu.memory_space<hbm>> -> memref<1x1x6x1664xi32, #tpu.memory_space<hbm>>
    %dma_start3A_17 = tpu.memref_squeeze %dma_start3A_16 : memref<1x1x6x1664xi32, #tpu.memory_space<hbm>> -> memref<6x1664xi32, #tpu.memory_space<hbm>>
    tpu.enqueue_dma source(%dma_start3A_17 : memref<6x1664xi32, #tpu.memory_space<hbm>>) target(%arg7 : memref<6x1664xi32, #tpu.memory_space<vmem>>) target_semaphore(%arg15 : memref<!tpu.dma_semaphore, #tpu.memory_space<semaphore_mem>>)
    %broadcast_in_dim3A = arith.constant 0.000000e+00 : f32
    %broadcast_in_dim3A_18 = vector.broadcast %broadcast_in_dim3A : f32 to vector<16xf32>
    %scan3A = arith.constant 0 : i32
    %scan3A_19 = arith.constant 640 : i32
    %scan3A_20 = arith.addi %scan3A, %scan3A_19 : i32
    %scan3A_21 = arith.constant 1 : i32
    scf.for %scan3A_342 = %scan3A to %scan3A_20 step %scan3A_21  : i32 {
      %mul3A_343 = arith.constant 1 : i32
      %mul3A_344 = arith.muli %scan3A_342, %mul3A_343 : i32
      %add3A_345 = arith.constant 0 : i32
      %add3A_346 = arith.addi %add3A_345, %mul3A_344 : i32
      %swap3A = arith.index_cast %add3A_346 : i32 to index
      %swap3A_347 = arith.constant 0 : index
      %swap3A_348 = tpu.vector_load %arg10[%swap3A, %swap3A_347] {strides = array<i32>} : memref<640x16xf32, #tpu.memory_space<vmem>>, vector<1x16xf32>,
      %swap3A_349 = vector.shape_cast %swap3A_348 : vector<1x16xf32> to vector<16xf32>
      %swap3A_350 = vector.shape_cast %broadcast_in_dim3A_18 : vector<16xf32> to vector<1x16xf32>
      tpu.vector_store %arg10[%swap3A, %swap3A_347], %swap3A_350 {strides = array<i32>} : memref<640x16xf32, #tpu.memory_space<vmem>>, vector<1x16xf32>,
    }
    %scan3A_22 = arith.constant 640 : i32
    %dma_wait3A = arith.constant 0 : i32
    %dma_wait3A_23 = arith.constant 0 : i32
    %dma_wait3A_24 = arith.constant 0 : i32
    %dma_wait3A_25 = tpu.memref_slice %arg3[%dma_wait3A, %add3A, %dma_wait3A_23, %dma_wait3A_24] : memref<2x32x6x1664xi32, #tpu.memory_space<hbm>> -> memref<1x1x6x1664xi32, #tpu.memory_space<hbm>>
    %dma_wait3A_26 = tpu.memref_squeeze %dma_wait3A_25 : memref<1x1x6x1664xi32, #tpu.memory_space<hbm>> -> memref<6x1664xi32, #tpu.memory_space<hbm>>
    %dma_wait3A_27 = arith.constant 0 : i32
    %dma_wait3A_28 = arith.constant 0 : i32
    %dma_wait3A_29 = tpu.memref_slice %arg3[%dma_wait3A, %add3A, %dma_wait3A_27, %dma_wait3A_28] : memref<2x32x6x1664xi32, #tpu.memory_space<hbm>> -> memref<1x1x6x1664xi32, #tpu.memory_space<hbm>>
    %dma_wait3A_30 = tpu.memref_squeeze %dma_wait3A_29 : memref<1x1x6x1664xi32, #tpu.memory_space<hbm>> -> memref<6x1664xi32, #tpu.memory_space<hbm>>
    tpu.wait_dma2 semaphore(%arg12 : memref<!tpu.dma_semaphore, #tpu.memory_space<semaphore_mem>>) src(%dma_wait3A_30 : memref<6x1664xi32, #tpu.memory_space<hbm>>) dst(%arg6 : memref<6x1664xi32, #tpu.memory_space<vmem>>)
    %dma_start3A_31 = arith.constant 0 : i32
    %dma_start3A_32 = arith.constant 0 : i32
    %dma_start3A_33 = arith.constant 0 : i32
    %dma_start3A_34 = arith.constant 0 : i32
    %dma_start3A_35 = tpu.memref_slice %arg9[%dma_start3A_32, %dma_start3A_33, %dma_start3A_34] : memref<3x1664x16xf32, #tpu.memory_space<vmem>> -> memref<1x1664x16xf32, #tpu.memory_space<vmem>>
    %dma_start3A_36 = tpu.memref_squeeze %dma_start3A_35 : memref<1x1664x16xf32, #tpu.memory_space<vmem>> -> memref<1664x16xf32, #tpu.memory_space<vmem>>
    %dma_start3A_37 = arith.constant 0 : i32
    %dma_start3A_38 = tpu.memref_slice %arg6[%dma_start3A_31, %dma_start3A_37] : memref<6x1664xi32, #tpu.memory_space<vmem>> -> memref<1x1664xi32, #tpu.memory_space<vmem>>
    %dma_start3A_39 = tpu.memref_squeeze %dma_start3A_38 : memref<1x1664xi32, #tpu.memory_space<vmem>> -> memref<1664xi32, #tpu.memory_space<vmem>>
    %dma_start3A_40 = arith.constant 0 : i32
    %dma_start3A_41 = arith.constant 0 : i32
    %dma_start3A_42 = tpu.memref_slice %arg2[%dma_start3A_40, %dma_start3A_41] : memref<10000x16xf32, #tpu.memory_space<hbm>> -> memref<10000x16xf32, #tpu.memory_space<hbm>>
    tpu.enqueue_indirect_dma source(%dma_start3A_42 : memref<10000x16xf32, #tpu.memory_space<hbm>>) target(%dma_start3A_36 : memref<1664x16xf32, #tpu.memory_space<vmem>>) offsets(%dma_start3A_39 : memref<1664xi32, #tpu.memory_space<vmem>>) semaphore(%arg12 : memref<!tpu.dma_semaphore, #tpu.memory_space<semaphore_mem>>)
    %dma_start3A_43 = arith.constant 1 : i32
    %dma_start3A_44 = arith.constant 1 : i32
    %dma_start3A_45 = arith.constant 0 : i32
    %dma_start3A_46 = arith.constant 0 : i32
    %dma_start3A_47 = tpu.memref_slice %arg9[%dma_start3A_44, %dma_start3A_45, %dma_start3A_46] : memref<3x1664x16xf32, #tpu.memory_space<vmem>> -> memref<1x1664x16xf32, #tpu.memory_space<vmem>>
    %dma_start3A_48 = tpu.memref_squeeze %dma_start3A_47 : memref<1x1664x16xf32, #tpu.memory_space<vmem>> -> memref<1664x16xf32, #tpu.memory_space<vmem>>
    %dma_start3A_49 = arith.constant 0 : i32
    %dma_start3A_50 = tpu.memref_slice %arg6[%dma_start3A_43, %dma_start3A_49] : memref<6x1664xi32, #tpu.memory_space<vmem>> -> memref<1x1664xi32, #tpu.memory_space<vmem>>
    %dma_start3A_51 = tpu.memref_squeeze %dma_start3A_50 : memref<1x1664xi32, #tpu.memory_space<vmem>> -> memref<1664xi32, #tpu.memory_space<vmem>>
    %dma_start3A_52 = arith.constant 0 : i32
    %dma_start3A_53 = arith.constant 0 : i32
    %dma_start3A_54 = tpu.memref_slice %arg2[%dma_start3A_52, %dma_start3A_53] : memref<10000x16xf32, #tpu.memory_space<hbm>> -> memref<10000x16xf32, #tpu.memory_space<hbm>>
    tpu.enqueue_indirect_dma source(%dma_start3A_54 : memref<10000x16xf32, #tpu.memory_space<hbm>>) target(%dma_start3A_48 : memref<1664x16xf32, #tpu.memory_space<vmem>>) offsets(%dma_start3A_51 : memref<1664xi32, #tpu.memory_space<vmem>>) semaphore(%arg13 : memref<!tpu.dma_semaphore, #tpu.memory_space<semaphore_mem>>)
    %dma_start3A_55 = arith.constant 2 : i32
    %dma_start3A_56 = arith.constant 2 : i32
    %dma_start3A_57 = arith.constant 0 : i32
    %dma_start3A_58 = arith.constant 0 : i32
    %dma_start3A_59 = tpu.memref_slice %arg9[%dma_start3A_56, %dma_start3A_57, %dma_start3A_58] : memref<3x1664x16xf32, #tpu.memory_space<vmem>> -> memref<1x1664x16xf32, #tpu.memory_space<vmem>>
    %dma_start3A_60 = tpu.memref_squeeze %dma_start3A_59 : memref<1x1664x16xf32, #tpu.memory_space<vmem>> -> memref<1664x16xf32, #tpu.memory_space<vmem>>
    %dma_start3A_61 = arith.constant 0 : i32
    %dma_start3A_62 = tpu.memref_slice %arg6[%dma_start3A_55, %dma_start3A_61] : memref<6x1664xi32, #tpu.memory_space<vmem>> -> memref<1x1664xi32, #tpu.memory_space<vmem>>
    %dma_start3A_63 = tpu.memref_squeeze %dma_start3A_62 : memref<1x1664xi32, #tpu.memory_space<vmem>> -> memref<1664xi32, #tpu.memory_space<vmem>>
    %dma_start3A_64 = arith.constant 0 : i32
    %dma_start3A_65 = arith.constant 0 : i32
    %dma_start3A_66 = tpu.memref_slice %arg2[%dma_start3A_64, %dma_start3A_65] : memref<10000x16xf32, #tpu.memory_space<hbm>> -> memref<10000x16xf32, #tpu.memory_space<hbm>>
    tpu.enqueue_indirect_dma source(%dma_start3A_66 : memref<10000x16xf32, #tpu.memory_space<hbm>>) target(%dma_start3A_60 : memref<1664x16xf32, #tpu.memory_space<vmem>>) offsets(%dma_start3A_63 : memref<1664xi32, #tpu.memory_space<vmem>>) semaphore(%arg14 : memref<!tpu.dma_semaphore, #tpu.memory_space<semaphore_mem>>)
    %mul3A_67 = arith.constant 640 : i32
    %mul3A_68 = arith.muli %arg1, %mul3A_67 : i32
    "tpu.region"() ({
      %run_scoped3A = tpu.sem_alloc : memref<!tpu.dma_semaphore, #tpu.memory_space<semaphore_mem>>
      %dma_start3A_342 = arith.constant 0 : i32
      %dma_start3A_343 = tpu.memref_slice %arg11[%mul3A_68, %dma_start3A_342] : memref<10240x16xf32, #tpu.memory_space<vmem_shared>> -> memref<640x16xf32, #tpu.memory_space<vmem_shared>>
      %dma_start3A_344 = arith.constant 0 : i32
      %dma_start3A_345 = tpu.memref_slice %arg11[%mul3A_68, %dma_start3A_344] : memref<10240x16xf32, #tpu.memory_space<vmem_shared>> -> memref<640x16xf32, #tpu.memory_space<vmem_shared>>
      tpu.enqueue_dma source(%arg10 : memref<640x16xf32, #tpu.memory_space<vmem>>) target(%dma_start3A_345 : memref<640x16xf32, #tpu.memory_space<vmem_shared>>) target_semaphore(%run_scoped3A : memref<!tpu.dma_semaphore, #tpu.memory_space<semaphore_mem>>)
      %dma_wait3A_346 = arith.constant 0 : i32
      %dma_wait3A_347 = tpu.memref_slice %arg11[%mul3A_68, %dma_wait3A_346] : memref<10240x16xf32, #tpu.memory_space<vmem_shared>> -> memref<640x16xf32, #tpu.memory_space<vmem_shared>>
      %dma_wait3A_348 = arith.constant 0 : i32
      %dma_wait3A_349 = tpu.memref_slice %arg11[%mul3A_68, %dma_wait3A_348] : memref<10240x16xf32, #tpu.memory_space<vmem_shared>> -> memref<640x16xf32, #tpu.memory_space<vmem_shared>>
      tpu.wait_dma2 semaphore(%run_scoped3A : memref<!tpu.dma_semaphore, #tpu.memory_space<semaphore_mem>>) src(%arg10 : memref<640x16xf32, #tpu.memory_space<vmem>>) dst(%dma_wait3A_349 : memref<640x16xf32, #tpu.memory_space<vmem_shared>>)
      tpu.yield
    }) : () -> ()
    %dma_wait3A_69 = arith.constant 1 : i32
    %dma_wait3A_70 = arith.constant 0 : i32
    %dma_wait3A_71 = arith.constant 0 : i32
    %dma_wait3A_72 = tpu.memref_slice %arg3[%dma_wait3A_69, %add3A, %dma_wait3A_70, %dma_wait3A_71] : memref<2x32x6x1664xi32, #tpu.memory_space<hbm>> -> memref<1x1x6x1664xi32, #tpu.memory_space<hbm>>
    %dma_wait3A_73 = tpu.memref_squeeze %dma_wait3A_72 : memref<1x1x6x1664xi32, #tpu.memory_space<hbm>> -> memref<6x1664xi32, #tpu.memory_space<hbm>>
    %dma_wait3A_74 = arith.constant 0 : i32
    %dma_wait3A_75 = arith.constant 0 : i32
    %dma_wait3A_76 = tpu.memref_slice %arg3[%dma_wait3A_69, %add3A, %dma_wait3A_74, %dma_wait3A_75] : memref<2x32x6x1664xi32, #tpu.memory_space<hbm>> -> memref<1x1x6x1664xi32, #tpu.memory_space<hbm>>
    %dma_wait3A_77 = tpu.memref_squeeze %dma_wait3A_76 : memref<1x1x6x1664xi32, #tpu.memory_space<hbm>> -> memref<6x1664xi32, #tpu.memory_space<hbm>>
    tpu.wait_dma2 semaphore(%arg15 : memref<!tpu.dma_semaphore, #tpu.memory_space<semaphore_mem>>) src(%dma_wait3A_77 : memref<6x1664xi32, #tpu.memory_space<hbm>>) dst(%arg7 : memref<6x1664xi32, #tpu.memory_space<vmem>>)
    %lt3A = arith.constant 4 : i32
    %lt3A_78 = arith.cmpi slt, %add3A, %lt3A : i32
    %convert_element_type3A = arith.extui %lt3A_78 : i1 to i32
    %cond3A = arith.constant 0 : i32
    %cond3A_79 = arith.cmpi ne, %convert_element_type3A, %cond3A : i32
    scf.if %cond3A_79 {
      %run_scoped3A = arith.constant 0 : i32
      "tpu.region"() ({
        %run_scoped3A_343 = tpu.sem_alloc : memref<!tpu.dma_semaphore, #tpu.memory_space<semaphore_mem>>
        %dma_start3A_344 = arith.constant 0 : i32
        %dma_start3A_345 = arith.constant 0 : i32
        %dma_start3A_346 = tpu.memref_slice %arg8[%dma_start3A_344, %dma_start3A_345] : memref<2x128xi32, #tpu.memory_space<vmem>> -> memref<1x128xi32, #tpu.memory_space<vmem>>
        %dma_start3A_347 = arith.constant 0 : i32
        %dma_start3A_348 = tpu.memref_slice %arg4[%run_scoped3A, %add3A, %dma_start3A_347] : memref<2x4x128xi32, #tpu.memory_space<hbm>> -> memref<1x1x128xi32, #tpu.memory_space<hbm>>
        %dma_start3A_349 = tpu.memref_squeeze %dma_start3A_348 : memref<1x1x128xi32, #tpu.memory_space<hbm>> -> memref<1x128xi32, #tpu.memory_space<hbm>>
        %dma_start3A_350 = arith.constant 0 : i32
        %dma_start3A_351 = arith.constant 0 : i32
        %dma_start3A_352 = tpu.memref_slice %arg8[%dma_start3A_350, %dma_start3A_351] : memref<2x128xi32, #tpu.memory_space<vmem>> -> memref<1x128xi32, #tpu.memory_space<vmem>>
        %dma_start3A_353 = arith.constant 0 : i32
        %dma_start3A_354 = tpu.memref_slice %arg4[%run_scoped3A, %add3A, %dma_start3A_353] : memref<2x4x128xi32, #tpu.memory_space<hbm>> -> memref<1x1x128xi32, #tpu.memory_space<hbm>>
        %dma_start3A_355 = tpu.memref_squeeze %dma_start3A_354 : memref<1x1x128xi32, #tpu.memory_space<hbm>> -> memref<1x128xi32, #tpu.memory_space<hbm>>
        tpu.enqueue_dma source(%dma_start3A_355 : memref<1x128xi32, #tpu.memory_space<hbm>>) target(%dma_start3A_352 : memref<1x128xi32, #tpu.memory_space<vmem>>) target_semaphore(%run_scoped3A_343 : memref<!tpu.dma_semaphore, #tpu.memory_space<semaphore_mem>>)
        %dma_wait3A_356 = arith.constant 0 : i32
        %dma_wait3A_357 = arith.constant 0 : i32
        %dma_wait3A_358 = tpu.memref_slice %arg8[%dma_wait3A_356, %dma_wait3A_357] : memref<2x128xi32, #tpu.memory_space<vmem>> -> memref<1x128xi32, #tpu.memory_space<vmem>>
        %dma_wait3A_359 = arith.constant 0 : i32
        %dma_wait3A_360 = tpu.memref_slice %arg4[%run_scoped3A, %add3A, %dma_wait3A_359] : memref<2x4x128xi32, #tpu.memory_space<hbm>> -> memref<1x1x128xi32, #tpu.memory_space<hbm>>
        %dma_wait3A_361 = tpu.memref_squeeze %dma_wait3A_360 : memref<1x1x128xi32, #tpu.memory_space<hbm>> -> memref<1x128xi32, #tpu.memory_space<hbm>>
        %dma_wait3A_362 = arith.constant 0 : i32
        %dma_wait3A_363 = arith.constant 0 : i32
        %dma_wait3A_364 = tpu.memref_slice %arg8[%dma_wait3A_362, %dma_wait3A_363] : memref<2x128xi32, #tpu.memory_space<vmem>> -> memref<1x128xi32, #tpu.memory_space<vmem>>
        %dma_wait3A_365 = arith.constant 0 : i32
        %dma_wait3A_366 = tpu.memref_slice %arg4[%run_scoped3A, %add3A, %dma_wait3A_365] : memref<2x4x128xi32, #tpu.memory_space<hbm>> -> memref<1x1x128xi32, #tpu.memory_space<hbm>>
        %dma_wait3A_367 = tpu.memref_squeeze %dma_wait3A_366 : memref<1x1x128xi32, #tpu.memory_space<hbm>> -> memref<1x128xi32, #tpu.memory_space<hbm>>
        tpu.wait_dma2 semaphore(%run_scoped3A_343 : memref<!tpu.dma_semaphore, #tpu.memory_space<semaphore_mem>>) src(%dma_wait3A_367 : memref<1x128xi32, #tpu.memory_space<hbm>>) dst(%dma_wait3A_364 : memref<1x128xi32, #tpu.memory_space<vmem>>)
        tpu.yield
      }) : () -> ()
      %run_scoped3A_342 = arith.constant 1 : i32
      "tpu.region"() ({
        %run_scoped3A_343 = tpu.sem_alloc : memref<!tpu.dma_semaphore, #tpu.memory_space<semaphore_mem>>
        %dma_start3A_344 = arith.constant 1 : i32
        %dma_start3A_345 = arith.constant 0 : i32
        %dma_start3A_346 = tpu.memref_slice %arg8[%dma_start3A_344, %dma_start3A_345] : memref<2x128xi32, #tpu.memory_space<vmem>> -> memref<1x128xi32, #tpu.memory_space<vmem>>
        %dma_start3A_347 = arith.constant 0 : i32
        %dma_start3A_348 = tpu.memref_slice %arg4[%run_scoped3A_342, %add3A, %dma_start3A_347] : memref<2x4x128xi32, #tpu.memory_space<hbm>> -> memref<1x1x128xi32, #tpu.memory_space<hbm>>
        %dma_start3A_349 = tpu.memref_squeeze %dma_start3A_348 : memref<1x1x128xi32, #tpu.memory_space<hbm>> -> memref<1x128xi32, #tpu.memory_space<hbm>>
        %dma_start3A_350 = arith.constant 1 : i32
        %dma_start3A_351 = arith.constant 0 : i32
        %dma_start3A_352 = tpu.memref_slice %arg8[%dma_start3A_350, %dma_start3A_351] : memref<2x128xi32, #tpu.memory_space<vmem>> -> memref<1x128xi32, #tpu.memory_space<vmem>>
        %dma_start3A_353 = arith.constant 0 : i32
        %dma_start3A_354 = tpu.memref_slice %arg4[%run_scoped3A_342, %add3A, %dma_start3A_353] : memref<2x4x128xi32, #tpu.memory_space<hbm>> -> memref<1x1x128xi32, #tpu.memory_space<hbm>>
        %dma_start3A_355 = tpu.memref_squeeze %dma_start3A_354 : memref<1x1x128xi32, #tpu.memory_space<hbm>> -> memref<1x128xi32, #tpu.memory_space<hbm>>
        tpu.enqueue_dma source(%dma_start3A_355 : memref<1x128xi32, #tpu.memory_space<hbm>>) target(%dma_start3A_352 : memref<1x128xi32, #tpu.memory_space<vmem>>) target_semaphore(%run_scoped3A_343 : memref<!tpu.dma_semaphore, #tpu.memory_space<semaphore_mem>>)
        %dma_wait3A_356 = arith.constant 1 : i32
        %dma_wait3A_357 = arith.constant 0 : i32
        %dma_wait3A_358 = tpu.memref_slice %arg8[%dma_wait3A_356, %dma_wait3A_357] : memref<2x128xi32, #tpu.memory_space<vmem>> -> memref<1x128xi32, #tpu.memory_space<vmem>>
        %dma_wait3A_359 = arith.constant 0 : i32
        %dma_wait3A_360 = tpu.memref_slice %arg4[%run_scoped3A_342, %add3A, %dma_wait3A_359] : memref<2x4x128xi32, #tpu.memory_space<hbm>> -> memref<1x1x128xi32, #tpu.memory_space<hbm>>
        %dma_wait3A_361 = tpu.memref_squeeze %dma_wait3A_360 : memref<1x1x128xi32, #tpu.memory_space<hbm>> -> memref<1x128xi32, #tpu.memory_space<hbm>>
        %dma_wait3A_362 = arith.constant 1 : i32
        %dma_wait3A_363 = arith.constant 0 : i32
        %dma_wait3A_364 = tpu.memref_slice %arg8[%dma_wait3A_362, %dma_wait3A_363] : memref<2x128xi32, #tpu.memory_space<vmem>> -> memref<1x128xi32, #tpu.memory_space<vmem>>
        %dma_wait3A_365 = arith.constant 0 : i32
        %dma_wait3A_366 = tpu.memref_slice %arg4[%run_scoped3A_342, %add3A, %dma_wait3A_365] : memref<2x4x128xi32, #tpu.memory_space<hbm>> -> memref<1x1x128xi32, #tpu.memory_space<hbm>>
        %dma_wait3A_367 = tpu.memref_squeeze %dma_wait3A_366 : memref<1x1x128xi32, #tpu.memory_space<hbm>> -> memref<1x128xi32, #tpu.memory_space<hbm>>
        tpu.wait_dma2 semaphore(%run_scoped3A_343 : memref<!tpu.dma_semaphore, #tpu.memory_space<semaphore_mem>>) src(%dma_wait3A_367 : memref<1x128xi32, #tpu.memory_space<hbm>>) dst(%dma_wait3A_364 : memref<1x128xi32, #tpu.memory_space<vmem>>)
        tpu.yield
      }) : () -> ()
    } else {
    }
    %barrier3A = arith.constant 0 : index
    tpu.barrier barrier_id(%barrier3A)
    %dma_wait3A_80 = arith.constant 0 : i32
    %dma_wait3A_81 = arith.constant 0 : i32
    %dma_wait3A_82 = arith.constant 0 : i32
    %dma_wait3A_83 = arith.constant 0 : i32
    %dma_wait3A_84 = tpu.memref_slice %arg9[%dma_wait3A_81, %dma_wait3A_82, %dma_wait3A_83] : memref<3x1664x16xf32, #tpu.memory_space<vmem>> -> memref<1x1664x16xf32, #tpu.memory_space<vmem>>
    %dma_wait3A_85 = tpu.memref_squeeze %dma_wait3A_84 : memref<1x1664x16xf32, #tpu.memory_space<vmem>> -> memref<1664x16xf32, #tpu.memory_space<vmem>>
    %dma_wait3A_86 = arith.constant 0 : i32
    %dma_wait3A_87 = tpu.memref_slice %arg6[%dma_wait3A_80, %dma_wait3A_86] : memref<6x1664xi32, #tpu.memory_space<vmem>> -> memref<1x1664xi32, #tpu.memory_space<vmem>>
    %dma_wait3A_88 = tpu.memref_squeeze %dma_wait3A_87 : memref<1x1664xi32, #tpu.memory_space<vmem>> -> memref<1664xi32, #tpu.memory_space<vmem>>
    %dma_wait3A_89 = arith.constant 0 : i32
    %dma_wait3A_90 = arith.constant 0 : i32
    %dma_wait3A_91 = tpu.memref_slice %arg2[%dma_wait3A_89, %dma_wait3A_90] : memref<10000x16xf32, #tpu.memory_space<hbm>> -> memref<10000x16xf32, #tpu.memory_space<hbm>>
    tpu.wait_indirect_dma semaphore(%arg12 : memref<!tpu.dma_semaphore, #tpu.memory_space<semaphore_mem>>) src(%dma_wait3A_91 : memref<10000x16xf32, #tpu.memory_space<hbm>>) dst(%dma_wait3A_85 : memref<1664x16xf32, #tpu.memory_space<vmem>>)
    %dma_start3A_92 = arith.constant 0 : i32
    %dma_start3A_93 = arith.constant 0 : i32
    %dma_start3A_94 = arith.constant 0 : i32
    %dma_start3A_95 = arith.constant 0 : i32
    %dma_start3A_96 = tpu.memref_slice %arg9[%dma_start3A_92, %dma_start3A_94, %dma_start3A_95] : memref<3x1664x16xf32, #tpu.memory_space<vmem>> -> memref<1x1664x16xf32, #tpu.memory_space<vmem>>
    %dma_start3A_97 = tpu.memref_squeeze %dma_start3A_96 : memref<1x1664x16xf32, #tpu.memory_space<vmem>> -> memref<1664x16xf32, #tpu.memory_space<vmem>>
    %dma_start3A_98 = arith.constant 0 : i32
    %dma_start3A_99 = tpu.memref_slice %arg7[%dma_start3A_93, %dma_start3A_98] : memref<6x1664xi32, #tpu.memory_space<vmem>> -> memref<1x1664xi32, #tpu.memory_space<vmem>>
    %dma_start3A_100 = tpu.memref_squeeze %dma_start3A_99 : memref<1x1664xi32, #tpu.memory_space<vmem>> -> memref<1664xi32, #tpu.memory_space<vmem>>
    %dma_start3A_101 = arith.constant 0 : i32
    %dma_start3A_102 = arith.constant 0 : i32
    %dma_start3A_103 = tpu.memref_slice %arg11[%dma_start3A_101, %dma_start3A_102] : memref<10240x16xf32, #tpu.memory_space<vmem_shared>> -> memref<10240x16xf32, #tpu.memory_space<vmem_shared>>
    tpu.enqueue_indirect_dma source(%dma_start3A_97 : memref<1664x16xf32, #tpu.memory_space<vmem>>) target(%dma_start3A_103 : memref<10240x16xf32, #tpu.memory_space<vmem_shared>>) offsets(%dma_start3A_100 : memref<1664xi32, #tpu.memory_space<vmem>>) semaphore(%arg15 : memref<!tpu.dma_semaphore, #tpu.memory_space<semaphore_mem>>) {add = true}
    %dma_wait3A_104 = arith.constant 0 : i32
    %dma_wait3A_105 = arith.constant 0 : i32
    %dma_wait3A_106 = arith.constant 0 : i32
    %dma_wait3A_107 = arith.constant 0 : i32
    %dma_wait3A_108 = tpu.memref_slice %arg9[%dma_wait3A_104, %dma_wait3A_106, %dma_wait3A_107] : memref<3x1664x16xf32, #tpu.memory_space<vmem>> -> memref<1x1664x16xf32, #tpu.memory_space<vmem>>
    %dma_wait3A_109 = tpu.memref_squeeze %dma_wait3A_108 : memref<1x1664x16xf32, #tpu.memory_space<vmem>> -> memref<1664x16xf32, #tpu.memory_space<vmem>>
    %dma_wait3A_110 = arith.constant 0 : i32
    %dma_wait3A_111 = tpu.memref_slice %arg7[%dma_wait3A_105, %dma_wait3A_110] : memref<6x1664xi32, #tpu.memory_space<vmem>> -> memref<1x1664xi32, #tpu.memory_space<vmem>>
    %dma_wait3A_112 = tpu.memref_squeeze %dma_wait3A_111 : memref<1x1664xi32, #tpu.memory_space<vmem>> -> memref<1664xi32, #tpu.memory_space<vmem>>
    %dma_wait3A_113 = arith.constant 0 : i32
    %dma_wait3A_114 = arith.constant 0 : i32
    %dma_wait3A_115 = tpu.memref_slice %arg11[%dma_wait3A_113, %dma_wait3A_114] : memref<10240x16xf32, #tpu.memory_space<vmem_shared>> -> memref<10240x16xf32, #tpu.memory_space<vmem_shared>>
    tpu.wait_indirect_dma semaphore(%arg15 : memref<!tpu.dma_semaphore, #tpu.memory_space<semaphore_mem>>) src(%dma_wait3A_109 : memref<1664x16xf32, #tpu.memory_space<vmem>>) dst(%dma_wait3A_115 : memref<10240x16xf32, #tpu.memory_space<vmem_shared>>)
    %dma_start3A_116 = arith.constant 3 : i32
    %dma_start3A_117 = arith.constant 0 : i32
    %dma_start3A_118 = arith.constant 0 : i32
    %dma_start3A_119 = arith.constant 0 : i32
    %dma_start3A_120 = tpu.memref_slice %arg9[%dma_start3A_117, %dma_start3A_118, %dma_start3A_119] : memref<3x1664x16xf32, #tpu.memory_space<vmem>> -> memref<1x1664x16xf32, #tpu.memory_space<vmem>>
    %dma_start3A_121 = tpu.memref_squeeze %dma_start3A_120 : memref<1x1664x16xf32, #tpu.memory_space<vmem>> -> memref<1664x16xf32, #tpu.memory_space<vmem>>
    %dma_start3A_122 = arith.constant 0 : i32
    %dma_start3A_123 = tpu.memref_slice %arg6[%dma_start3A_116, %dma_start3A_122] : memref<6x1664xi32, #tpu.memory_space<vmem>> -> memref<1x1664xi32, #tpu.memory_space<vmem>>
    %dma_start3A_124 = tpu.memref_squeeze %dma_start3A_123 : memref<1x1664xi32, #tpu.memory_space<vmem>> -> memref<1664xi32, #tpu.memory_space<vmem>>
    %dma_start3A_125 = arith.constant 0 : i32
    %dma_start3A_126 = arith.constant 0 : i32
    %dma_start3A_127 = tpu.memref_slice %arg2[%dma_start3A_125, %dma_start3A_126] : memref<10000x16xf32, #tpu.memory_space<hbm>> -> memref<10000x16xf32, #tpu.memory_space<hbm>>
    tpu.enqueue_indirect_dma source(%dma_start3A_127 : memref<10000x16xf32, #tpu.memory_space<hbm>>) target(%dma_start3A_121 : memref<1664x16xf32, #tpu.memory_space<vmem>>) offsets(%dma_start3A_124 : memref<1664xi32, #tpu.memory_space<vmem>>) semaphore(%arg12 : memref<!tpu.dma_semaphore, #tpu.memory_space<semaphore_mem>>)
    %dma_wait3A_128 = arith.constant 0 : i32
    %dma_wait3A_129 = arith.constant 1 : i32
    %dma_wait3A_130 = arith.constant 0 : i32
    %dma_wait3A_131 = arith.constant 0 : i32
    %dma_wait3A_132 = tpu.memref_slice %arg9[%dma_wait3A_129, %dma_wait3A_130, %dma_wait3A_131] : memref<3x1664x16xf32, #tpu.memory_space<vmem>> -> memref<1x1664x16xf32, #tpu.memory_space<vmem>>
    %dma_wait3A_133 = tpu.memref_squeeze %dma_wait3A_132 : memref<1x1664x16xf32, #tpu.memory_space<vmem>> -> memref<1664x16xf32, #tpu.memory_space<vmem>>
    %dma_wait3A_134 = arith.constant 0 : i32
    %dma_wait3A_135 = tpu.memref_slice %arg6[%dma_wait3A_128, %dma_wait3A_134] : memref<6x1664xi32, #tpu.memory_space<vmem>> -> memref<1x1664xi32, #tpu.memory_space<vmem>>
    %dma_wait3A_136 = tpu.memref_squeeze %dma_wait3A_135 : memref<1x1664xi32, #tpu.memory_space<vmem>> -> memref<1664xi32, #tpu.memory_space<vmem>>
    %dma_wait3A_137 = arith.constant 0 : i32
    %dma_wait3A_138 = arith.constant 0 : i32
    %dma_wait3A_139 = tpu.memref_slice %arg2[%dma_wait3A_137, %dma_wait3A_138] : memref<10000x16xf32, #tpu.memory_space<hbm>> -> memref<10000x16xf32, #tpu.memory_space<hbm>>
    tpu.wait_indirect_dma semaphore(%arg13 : memref<!tpu.dma_semaphore, #tpu.memory_space<semaphore_mem>>) src(%dma_wait3A_139 : memref<10000x16xf32, #tpu.memory_space<hbm>>) dst(%dma_wait3A_133 : memref<1664x16xf32, #tpu.memory_space<vmem>>)
    %dma_start3A_140 = arith.constant 1 : i32
    %dma_start3A_141 = arith.constant 1 : i32
    %dma_start3A_142 = arith.constant 0 : i32
    %dma_start3A_143 = arith.constant 0 : i32
    %dma_start3A_144 = tpu.memref_slice %arg9[%dma_start3A_140, %dma_start3A_142, %dma_start3A_143] : memref<3x1664x16xf32, #tpu.memory_space<vmem>> -> memref<1x1664x16xf32, #tpu.memory_space<vmem>>
    %dma_start3A_145 = tpu.memref_squeeze %dma_start3A_144 : memref<1x1664x16xf32, #tpu.memory_space<vmem>> -> memref<1664x16xf32, #tpu.memory_space<vmem>>
    %dma_start3A_146 = arith.constant 0 : i32
    %dma_start3A_147 = tpu.memref_slice %arg7[%dma_start3A_141, %dma_start3A_146] : memref<6x1664xi32, #tpu.memory_space<vmem>> -> memref<1x1664xi32, #tpu.memory_space<vmem>>
    %dma_start3A_148 = tpu.memref_squeeze %dma_start3A_147 : memref<1x1664xi32, #tpu.memory_space<vmem>> -> memref<1664xi32, #tpu.memory_space<vmem>>
    %dma_start3A_149 = arith.constant 0 : i32
    %dma_start3A_150 = arith.constant 0 : i32
    %dma_start3A_151 = tpu.memref_slice %arg11[%dma_start3A_149, %dma_start3A_150] : memref<10240x16xf32, #tpu.memory_space<vmem_shared>> -> memref<10240x16xf32, #tpu.memory_space<vmem_shared>>
    tpu.enqueue_indirect_dma source(%dma_start3A_145 : memref<1664x16xf32, #tpu.memory_space<vmem>>) target(%dma_start3A_151 : memref<10240x16xf32, #tpu.memory_space<vmem_shared>>) offsets(%dma_start3A_148 : memref<1664xi32, #tpu.memory_space<vmem>>) semaphore(%arg16 : memref<!tpu.dma_semaphore, #tpu.memory_space<semaphore_mem>>) {add = true}
    %dma_wait3A_152 = arith.constant 1 : i32
    %dma_wait3A_153 = arith.constant 0 : i32
    %dma_wait3A_154 = arith.constant 0 : i32
    %dma_wait3A_155 = arith.constant 0 : i32
    %dma_wait3A_156 = tpu.memref_slice %arg9[%dma_wait3A_152, %dma_wait3A_154, %dma_wait3A_155] : memref<3x1664x16xf32, #tpu.memory_space<vmem>> -> memref<1x1664x16xf32, #tpu.memory_space<vmem>>
    %dma_wait3A_157 = tpu.memref_squeeze %dma_wait3A_156 : memref<1x1664x16xf32, #tpu.memory_space<vmem>> -> memref<1664x16xf32, #tpu.memory_space<vmem>>
    %dma_wait3A_158 = arith.constant 0 : i32
    %dma_wait3A_159 = tpu.memref_slice %arg7[%dma_wait3A_153, %dma_wait3A_158] : memref<6x1664xi32, #tpu.memory_space<vmem>> -> memref<1x1664xi32, #tpu.memory_space<vmem>>
    %dma_wait3A_160 = tpu.memref_squeeze %dma_wait3A_159 : memref<1x1664xi32, #tpu.memory_space<vmem>> -> memref<1664xi32, #tpu.memory_space<vmem>>
    %dma_wait3A_161 = arith.constant 0 : i32
    %dma_wait3A_162 = arith.constant 0 : i32
    %dma_wait3A_163 = tpu.memref_slice %arg11[%dma_wait3A_161, %dma_wait3A_162] : memref<10240x16xf32, #tpu.memory_space<vmem_shared>> -> memref<10240x16xf32, #tpu.memory_space<vmem_shared>>
    tpu.wait_indirect_dma semaphore(%arg16 : memref<!tpu.dma_semaphore, #tpu.memory_space<semaphore_mem>>) src(%dma_wait3A_157 : memref<1664x16xf32, #tpu.memory_space<vmem>>) dst(%dma_wait3A_163 : memref<10240x16xf32, #tpu.memory_space<vmem_shared>>)
    %dma_start3A_164 = arith.constant 4 : i32
    %dma_start3A_165 = arith.constant 1 : i32
    %dma_start3A_166 = arith.constant 0 : i32
    %dma_start3A_167 = arith.constant 0 : i32
    %dma_start3A_168 = tpu.memref_slice %arg9[%dma_start3A_165, %dma_start3A_166, %dma_start3A_167] : memref<3x1664x16xf32, #tpu.memory_space<vmem>> -> memref<1x1664x16xf32, #tpu.memory_space<vmem>>
    %dma_start3A_169 = tpu.memref_squeeze %dma_start3A_168 : memref<1x1664x16xf32, #tpu.memory_space<vmem>> -> memref<1664x16xf32, #tpu.memory_space<vmem>>
    %dma_start3A_170 = arith.constant 0 : i32
    %dma_start3A_171 = tpu.memref_slice %arg6[%dma_start3A_164, %dma_start3A_170] : memref<6x1664xi32, #tpu.memory_space<vmem>> -> memref<1x1664xi32, #tpu.memory_space<vmem>>
    %dma_start3A_172 = tpu.memref_squeeze %dma_start3A_171 : memref<1x1664xi32, #tpu.memory_space<vmem>> -> memref<1664xi32, #tpu.memory_space<vmem>>
    %dma_start3A_173 = arith.constant 0 : i32
    %dma_start3A_174 = arith.constant 0 : i32
    %dma_start3A_175 = tpu.memref_slice %arg2[%dma_start3A_173, %dma_start3A_174] : memref<10000x16xf32, #tpu.memory_space<hbm>> -> memref<10000x16xf32, #tpu.memory_space<hbm>>
    tpu.enqueue_indirect_dma source(%dma_start3A_175 : memref<10000x16xf32, #tpu.memory_space<hbm>>) target(%dma_start3A_169 : memref<1664x16xf32, #tpu.memory_space<vmem>>) offsets(%dma_start3A_172 : memref<1664xi32, #tpu.memory_space<vmem>>) semaphore(%arg13 : memref<!tpu.dma_semaphore, #tpu.memory_space<semaphore_mem>>)
    %dma_wait3A_176 = arith.constant 0 : i32
    %dma_wait3A_177 = arith.constant 2 : i32
    %dma_wait3A_178 = arith.constant 0 : i32
    %dma_wait3A_179 = arith.constant 0 : i32
    %dma_wait3A_180 = tpu.memref_slice %arg9[%dma_wait3A_177, %dma_wait3A_178, %dma_wait3A_179] : memref<3x1664x16xf32, #tpu.memory_space<vmem>> -> memref<1x1664x16xf32, #tpu.memory_space<vmem>>
    %dma_wait3A_181 = tpu.memref_squeeze %dma_wait3A_180 : memref<1x1664x16xf32, #tpu.memory_space<vmem>> -> memref<1664x16xf32, #tpu.memory_space<vmem>>
    %dma_wait3A_182 = arith.constant 0 : i32
    %dma_wait3A_183 = tpu.memref_slice %arg6[%dma_wait3A_176, %dma_wait3A_182] : memref<6x1664xi32, #tpu.memory_space<vmem>> -> memref<1x1664xi32, #tpu.memory_space<vmem>>
    %dma_wait3A_184 = tpu.memref_squeeze %dma_wait3A_183 : memref<1x1664xi32, #tpu.memory_space<vmem>> -> memref<1664xi32, #tpu.memory_space<vmem>>
    %dma_wait3A_185 = arith.constant 0 : i32
    %dma_wait3A_186 = arith.constant 0 : i32
    %dma_wait3A_187 = tpu.memref_slice %arg2[%dma_wait3A_185, %dma_wait3A_186] : memref<10000x16xf32, #tpu.memory_space<hbm>> -> memref<10000x16xf32, #tpu.memory_space<hbm>>
    tpu.wait_indirect_dma semaphore(%arg14 : memref<!tpu.dma_semaphore, #tpu.memory_space<semaphore_mem>>) src(%dma_wait3A_187 : memref<10000x16xf32, #tpu.memory_space<hbm>>) dst(%dma_wait3A_181 : memref<1664x16xf32, #tpu.memory_space<vmem>>)
    %dma_start3A_188 = arith.constant 2 : i32
    %dma_start3A_189 = arith.constant 2 : i32
    %dma_start3A_190 = arith.constant 0 : i32
    %dma_start3A_191 = arith.constant 0 : i32
    %dma_start3A_192 = tpu.memref_slice %arg9[%dma_start3A_188, %dma_start3A_190, %dma_start3A_191] : memref<3x1664x16xf32, #tpu.memory_space<vmem>> -> memref<1x1664x16xf32, #tpu.memory_space<vmem>>
    %dma_start3A_193 = tpu.memref_squeeze %dma_start3A_192 : memref<1x1664x16xf32, #tpu.memory_space<vmem>> -> memref<1664x16xf32, #tpu.memory_space<vmem>>
    %dma_start3A_194 = arith.constant 0 : i32
    %dma_start3A_195 = tpu.memref_slice %arg7[%dma_start3A_189, %dma_start3A_194] : memref<6x1664xi32, #tpu.memory_space<vmem>> -> memref<1x1664xi32, #tpu.memory_space<vmem>>
    %dma_start3A_196 = tpu.memref_squeeze %dma_start3A_195 : memref<1x1664xi32, #tpu.memory_space<vmem>> -> memref<1664xi32, #tpu.memory_space<vmem>>
    %dma_start3A_197 = arith.constant 0 : i32
    %dma_start3A_198 = arith.constant 0 : i32
    %dma_start3A_199 = tpu.memref_slice %arg11[%dma_start3A_197, %dma_start3A_198] : memref<10240x16xf32, #tpu.memory_space<vmem_shared>> -> memref<10240x16xf32, #tpu.memory_space<vmem_shared>>
    tpu.enqueue_indirect_dma source(%dma_start3A_193 : memref<1664x16xf32, #tpu.memory_space<vmem>>) target(%dma_start3A_199 : memref<10240x16xf32, #tpu.memory_space<vmem_shared>>) offsets(%dma_start3A_196 : memref<1664xi32, #tpu.memory_space<vmem>>) semaphore(%arg17 : memref<!tpu.dma_semaphore, #tpu.memory_space<semaphore_mem>>) {add = true}
    %dma_wait3A_200 = arith.constant 2 : i32
    %dma_wait3A_201 = arith.constant 0 : i32
    %dma_wait3A_202 = arith.constant 0 : i32
    %dma_wait3A_203 = arith.constant 0 : i32
    %dma_wait3A_204 = tpu.memref_slice %arg9[%dma_wait3A_200, %dma_wait3A_202, %dma_wait3A_203] : memref<3x1664x16xf32, #tpu.memory_space<vmem>> -> memref<1x1664x16xf32, #tpu.memory_space<vmem>>
    %dma_wait3A_205 = tpu.memref_squeeze %dma_wait3A_204 : memref<1x1664x16xf32, #tpu.memory_space<vmem>> -> memref<1664x16xf32, #tpu.memory_space<vmem>>
    %dma_wait3A_206 = arith.constant 0 : i32
    %dma_wait3A_207 = tpu.memref_slice %arg7[%dma_wait3A_201, %dma_wait3A_206] : memref<6x1664xi32, #tpu.memory_space<vmem>> -> memref<1x1664xi32, #tpu.memory_space<vmem>>
    %dma_wait3A_208 = tpu.memref_squeeze %dma_wait3A_207 : memref<1x1664xi32, #tpu.memory_space<vmem>> -> memref<1664xi32, #tpu.memory_space<vmem>>
    %dma_wait3A_209 = arith.constant 0 : i32
    %dma_wait3A_210 = arith.constant 0 : i32
    %dma_wait3A_211 = tpu.memref_slice %arg11[%dma_wait3A_209, %dma_wait3A_210] : memref<10240x16xf32, #tpu.memory_space<vmem_shared>> -> memref<10240x16xf32, #tpu.memory_space<vmem_shared>>
    tpu.wait_indirect_dma semaphore(%arg17 : memref<!tpu.dma_semaphore, #tpu.memory_space<semaphore_mem>>) src(%dma_wait3A_205 : memref<1664x16xf32, #tpu.memory_space<vmem>>) dst(%dma_wait3A_211 : memref<10240x16xf32, #tpu.memory_space<vmem_shared>>)
    %dma_start3A_212 = arith.constant 5 : i32
    %dma_start3A_213 = arith.constant 2 : i32
    %dma_start3A_214 = arith.constant 0 : i32
    %dma_start3A_215 = arith.constant 0 : i32
    %dma_start3A_216 = tpu.memref_slice %arg9[%dma_start3A_213, %dma_start3A_214, %dma_start3A_215] : memref<3x1664x16xf32, #tpu.memory_space<vmem>> -> memref<1x1664x16xf32, #tpu.memory_space<vmem>>
    %dma_start3A_217 = tpu.memref_squeeze %dma_start3A_216 : memref<1x1664x16xf32, #tpu.memory_space<vmem>> -> memref<1664x16xf32, #tpu.memory_space<vmem>>
    %dma_start3A_218 = arith.constant 0 : i32
    %dma_start3A_219 = tpu.memref_slice %arg6[%dma_start3A_212, %dma_start3A_218] : memref<6x1664xi32, #tpu.memory_space<vmem>> -> memref<1x1664xi32, #tpu.memory_space<vmem>>
    %dma_start3A_220 = tpu.memref_squeeze %dma_start3A_219 : memref<1x1664xi32, #tpu.memory_space<vmem>> -> memref<1664xi32, #tpu.memory_space<vmem>>
    %dma_start3A_221 = arith.constant 0 : i32
    %dma_start3A_222 = arith.constant 0 : i32
    %dma_start3A_223 = tpu.memref_slice %arg2[%dma_start3A_221, %dma_start3A_222] : memref<10000x16xf32, #tpu.memory_space<hbm>> -> memref<10000x16xf32, #tpu.memory_space<hbm>>
    tpu.enqueue_indirect_dma source(%dma_start3A_223 : memref<10000x16xf32, #tpu.memory_space<hbm>>) target(%dma_start3A_217 : memref<1664x16xf32, #tpu.memory_space<vmem>>) offsets(%dma_start3A_220 : memref<1664xi32, #tpu.memory_space<vmem>>) semaphore(%arg14 : memref<!tpu.dma_semaphore, #tpu.memory_space<semaphore_mem>>)
    %dma_wait3A_224 = arith.constant 0 : i32
    %dma_wait3A_225 = arith.constant 0 : i32
    %dma_wait3A_226 = arith.constant 0 : i32
    %dma_wait3A_227 = arith.constant 0 : i32
    %dma_wait3A_228 = tpu.memref_slice %arg9[%dma_wait3A_225, %dma_wait3A_226, %dma_wait3A_227] : memref<3x1664x16xf32, #tpu.memory_space<vmem>> -> memref<1x1664x16xf32, #tpu.memory_space<vmem>>
    %dma_wait3A_229 = tpu.memref_squeeze %dma_wait3A_228 : memref<1x1664x16xf32, #tpu.memory_space<vmem>> -> memref<1664x16xf32, #tpu.memory_space<vmem>>
    %dma_wait3A_230 = arith.constant 0 : i32
    %dma_wait3A_231 = tpu.memref_slice %arg6[%dma_wait3A_224, %dma_wait3A_230] : memref<6x1664xi32, #tpu.memory_space<vmem>> -> memref<1x1664xi32, #tpu.memory_space<vmem>>
    %dma_wait3A_232 = tpu.memref_squeeze %dma_wait3A_231 : memref<1x1664xi32, #tpu.memory_space<vmem>> -> memref<1664xi32, #tpu.memory_space<vmem>>
    %dma_wait3A_233 = arith.constant 0 : i32
    %dma_wait3A_234 = arith.constant 0 : i32
    %dma_wait3A_235 = tpu.memref_slice %arg2[%dma_wait3A_233, %dma_wait3A_234] : memref<10000x16xf32, #tpu.memory_space<hbm>> -> memref<10000x16xf32, #tpu.memory_space<hbm>>
    tpu.wait_indirect_dma semaphore(%arg12 : memref<!tpu.dma_semaphore, #tpu.memory_space<semaphore_mem>>) src(%dma_wait3A_235 : memref<10000x16xf32, #tpu.memory_space<hbm>>) dst(%dma_wait3A_229 : memref<1664x16xf32, #tpu.memory_space<vmem>>)
    %dma_start3A_236 = arith.constant 0 : i32
    %dma_start3A_237 = arith.constant 3 : i32
    %dma_start3A_238 = arith.constant 0 : i32
    %dma_start3A_239 = arith.constant 0 : i32
    %dma_start3A_240 = tpu.memref_slice %arg9[%dma_start3A_236, %dma_start3A_238, %dma_start3A_239] : memref<3x1664x16xf32, #tpu.memory_space<vmem>> -> memref<1x1664x16xf32, #tpu.memory_space<vmem>>
    %dma_start3A_241 = tpu.memref_squeeze %dma_start3A_240 : memref<1x1664x16xf32, #tpu.memory_space<vmem>> -> memref<1664x16xf32, #tpu.memory_space<vmem>>
    %dma_start3A_242 = arith.constant 0 : i32
    %dma_start3A_243 = tpu.memref_slice %arg7[%dma_start3A_237, %dma_start3A_242] : memref<6x1664xi32, #tpu.memory_space<vmem>> -> memref<1x1664xi32, #tpu.memory_space<vmem>>
    %dma_start3A_244 = tpu.memref_squeeze %dma_start3A_243 : memref<1x1664xi32, #tpu.memory_space<vmem>> -> memref<1664xi32, #tpu.memory_space<vmem>>
    %dma_start3A_245 = arith.constant 0 : i32
    %dma_start3A_246 = arith.constant 0 : i32
    %dma_start3A_247 = tpu.memref_slice %arg11[%dma_start3A_245, %dma_start3A_246] : memref<10240x16xf32, #tpu.memory_space<vmem_shared>> -> memref<10240x16xf32, #tpu.memory_space<vmem_shared>>
    tpu.enqueue_indirect_dma source(%dma_start3A_241 : memref<1664x16xf32, #tpu.memory_space<vmem>>) target(%dma_start3A_247 : memref<10240x16xf32, #tpu.memory_space<vmem_shared>>) offsets(%dma_start3A_244 : memref<1664xi32, #tpu.memory_space<vmem>>) semaphore(%arg15 : memref<!tpu.dma_semaphore, #tpu.memory_space<semaphore_mem>>) {add = true}
    %dma_wait3A_248 = arith.constant 0 : i32
    %dma_wait3A_249 = arith.constant 1 : i32
    %dma_wait3A_250 = arith.constant 0 : i32
    %dma_wait3A_251 = arith.constant 0 : i32
    %dma_wait3A_252 = tpu.memref_slice %arg9[%dma_wait3A_249, %dma_wait3A_250, %dma_wait3A_251] : memref<3x1664x16xf32, #tpu.memory_space<vmem>> -> memref<1x1664x16xf32, #tpu.memory_space<vmem>>
    %dma_wait3A_253 = tpu.memref_squeeze %dma_wait3A_252 : memref<1x1664x16xf32, #tpu.memory_space<vmem>> -> memref<1664x16xf32, #tpu.memory_space<vmem>>
    %dma_wait3A_254 = arith.constant 0 : i32
    %dma_wait3A_255 = tpu.memref_slice %arg6[%dma_wait3A_248, %dma_wait3A_254] : memref<6x1664xi32, #tpu.memory_space<vmem>> -> memref<1x1664xi32, #tpu.memory_space<vmem>>
    %dma_wait3A_256 = tpu.memref_squeeze %dma_wait3A_255 : memref<1x1664xi32, #tpu.memory_space<vmem>> -> memref<1664xi32, #tpu.memory_space<vmem>>
    %dma_wait3A_257 = arith.constant 0 : i32
    %dma_wait3A_258 = arith.constant 0 : i32
    %dma_wait3A_259 = tpu.memref_slice %arg2[%dma_wait3A_257, %dma_wait3A_258] : memref<10000x16xf32, #tpu.memory_space<hbm>> -> memref<10000x16xf32, #tpu.memory_space<hbm>>
    tpu.wait_indirect_dma semaphore(%arg13 : memref<!tpu.dma_semaphore, #tpu.memory_space<semaphore_mem>>) src(%dma_wait3A_259 : memref<10000x16xf32, #tpu.memory_space<hbm>>) dst(%dma_wait3A_253 : memref<1664x16xf32, #tpu.memory_space<vmem>>)
    %dma_start3A_260 = arith.constant 1 : i32
    %dma_start3A_261 = arith.constant 4 : i32
    %dma_start3A_262 = arith.constant 0 : i32
    %dma_start3A_263 = arith.constant 0 : i32
    %dma_start3A_264 = tpu.memref_slice %arg9[%dma_start3A_260, %dma_start3A_262, %dma_start3A_263] : memref<3x1664x16xf32, #tpu.memory_space<vmem>> -> memref<1x1664x16xf32, #tpu.memory_space<vmem>>
    %dma_start3A_265 = tpu.memref_squeeze %dma_start3A_264 : memref<1x1664x16xf32, #tpu.memory_space<vmem>> -> memref<1664x16xf32, #tpu.memory_space<vmem>>
    %dma_start3A_266 = arith.constant 0 : i32
    %dma_start3A_267 = tpu.memref_slice %arg7[%dma_start3A_261, %dma_start3A_266] : memref<6x1664xi32, #tpu.memory_space<vmem>> -> memref<1x1664xi32, #tpu.memory_space<vmem>>
    %dma_start3A_268 = tpu.memref_squeeze %dma_start3A_267 : memref<1x1664xi32, #tpu.memory_space<vmem>> -> memref<1664xi32, #tpu.memory_space<vmem>>
    %dma_start3A_269 = arith.constant 0 : i32
    %dma_start3A_270 = arith.constant 0 : i32
    %dma_start3A_271 = tpu.memref_slice %arg11[%dma_start3A_269, %dma_start3A_270] : memref<10240x16xf32, #tpu.memory_space<vmem_shared>> -> memref<10240x16xf32, #tpu.memory_space<vmem_shared>>
    tpu.enqueue_indirect_dma source(%dma_start3A_265 : memref<1664x16xf32, #tpu.memory_space<vmem>>) target(%dma_start3A_271 : memref<10240x16xf32, #tpu.memory_space<vmem_shared>>) offsets(%dma_start3A_268 : memref<1664xi32, #tpu.memory_space<vmem>>) semaphore(%arg16 : memref<!tpu.dma_semaphore, #tpu.memory_space<semaphore_mem>>) {add = true}
    %dma_wait3A_272 = arith.constant 0 : i32
    %dma_wait3A_273 = arith.constant 2 : i32
    %dma_wait3A_274 = arith.constant 0 : i32
    %dma_wait3A_275 = arith.constant 0 : i32
    %dma_wait3A_276 = tpu.memref_slice %arg9[%dma_wait3A_273, %dma_wait3A_274, %dma_wait3A_275] : memref<3x1664x16xf32, #tpu.memory_space<vmem>> -> memref<1x1664x16xf32, #tpu.memory_space<vmem>>
    %dma_wait3A_277 = tpu.memref_squeeze %dma_wait3A_276 : memref<1x1664x16xf32, #tpu.memory_space<vmem>> -> memref<1664x16xf32, #tpu.memory_space<vmem>>
    %dma_wait3A_278 = arith.constant 0 : i32
    %dma_wait3A_279 = tpu.memref_slice %arg6[%dma_wait3A_272, %dma_wait3A_278] : memref<6x1664xi32, #tpu.memory_space<vmem>> -> memref<1x1664xi32, #tpu.memory_space<vmem>>
    %dma_wait3A_280 = tpu.memref_squeeze %dma_wait3A_279 : memref<1x1664xi32, #tpu.memory_space<vmem>> -> memref<1664xi32, #tpu.memory_space<vmem>>
    %dma_wait3A_281 = arith.constant 0 : i32
    %dma_wait3A_282 = arith.constant 0 : i32
    %dma_wait3A_283 = tpu.memref_slice %arg2[%dma_wait3A_281, %dma_wait3A_282] : memref<10000x16xf32, #tpu.memory_space<hbm>> -> memref<10000x16xf32, #tpu.memory_space<hbm>>
    tpu.wait_indirect_dma semaphore(%arg14 : memref<!tpu.dma_semaphore, #tpu.memory_space<semaphore_mem>>) src(%dma_wait3A_283 : memref<10000x16xf32, #tpu.memory_space<hbm>>) dst(%dma_wait3A_277 : memref<1664x16xf32, #tpu.memory_space<vmem>>)
    %dma_start3A_284 = arith.constant 2 : i32
    %dma_start3A_285 = arith.constant 5 : i32
    %dma_start3A_286 = arith.constant 0 : i32
    %dma_start3A_287 = arith.constant 0 : i32
    %dma_start3A_288 = tpu.memref_slice %arg9[%dma_start3A_284, %dma_start3A_286, %dma_start3A_287] : memref<3x1664x16xf32, #tpu.memory_space<vmem>> -> memref<1x1664x16xf32, #tpu.memory_space<vmem>>
    %dma_start3A_289 = tpu.memref_squeeze %dma_start3A_288 : memref<1x1664x16xf32, #tpu.memory_space<vmem>> -> memref<1664x16xf32, #tpu.memory_space<vmem>>
    %dma_start3A_290 = arith.constant 0 : i32
    %dma_start3A_291 = tpu.memref_slice %arg7[%dma_start3A_285, %dma_start3A_290] : memref<6x1664xi32, #tpu.memory_space<vmem>> -> memref<1x1664xi32, #tpu.memory_space<vmem>>
    %dma_start3A_292 = tpu.memref_squeeze %dma_start3A_291 : memref<1x1664xi32, #tpu.memory_space<vmem>> -> memref<1664xi32, #tpu.memory_space<vmem>>
    %dma_start3A_293 = arith.constant 0 : i32
    %dma_start3A_294 = arith.constant 0 : i32
    %dma_start3A_295 = tpu.memref_slice %arg11[%dma_start3A_293, %dma_start3A_294] : memref<10240x16xf32, #tpu.memory_space<vmem_shared>> -> memref<10240x16xf32, #tpu.memory_space<vmem_shared>>
    tpu.enqueue_indirect_dma source(%dma_start3A_289 : memref<1664x16xf32, #tpu.memory_space<vmem>>) target(%dma_start3A_295 : memref<10240x16xf32, #tpu.memory_space<vmem_shared>>) offsets(%dma_start3A_292 : memref<1664xi32, #tpu.memory_space<vmem>>) semaphore(%arg17 : memref<!tpu.dma_semaphore, #tpu.memory_space<semaphore_mem>>) {add = true}
    %dma_wait3A_296 = arith.constant 0 : i32
    %dma_wait3A_297 = arith.constant 0 : i32
    %dma_wait3A_298 = arith.constant 0 : i32
    %dma_wait3A_299 = arith.constant 0 : i32
    %dma_wait3A_300 = tpu.memref_slice %arg9[%dma_wait3A_296, %dma_wait3A_298, %dma_wait3A_299] : memref<3x1664x16xf32, #tpu.memory_space<vmem>> -> memref<1x1664x16xf32, #tpu.memory_space<vmem>>
    %dma_wait3A_301 = tpu.memref_squeeze %dma_wait3A_300 : memref<1x1664x16xf32, #tpu.memory_space<vmem>> -> memref<1664x16xf32, #tpu.memory_space<vmem>>
    %dma_wait3A_302 = arith.constant 0 : i32
    %dma_wait3A_303 = tpu.memref_slice %arg7[%dma_wait3A_297, %dma_wait3A_302] : memref<6x1664xi32, #tpu.memory_space<vmem>> -> memref<1x1664xi32, #tpu.memory_space<vmem>>
    %dma_wait3A_304 = tpu.memref_squeeze %dma_wait3A_303 : memref<1x1664xi32, #tpu.memory_space<vmem>> -> memref<1664xi32, #tpu.memory_space<vmem>>
    %dma_wait3A_305 = arith.constant 0 : i32
    %dma_wait3A_306 = arith.constant 0 : i32
    %dma_wait3A_307 = tpu.memref_slice %arg11[%dma_wait3A_305, %dma_wait3A_306] : memref<10240x16xf32, #tpu.memory_space<vmem_shared>> -> memref<10240x16xf32, #tpu.memory_space<vmem_shared>>
    tpu.wait_indirect_dma semaphore(%arg15 : memref<!tpu.dma_semaphore, #tpu.memory_space<semaphore_mem>>) src(%dma_wait3A_301 : memref<1664x16xf32, #tpu.memory_space<vmem>>) dst(%dma_wait3A_307 : memref<10240x16xf32, #tpu.memory_space<vmem_shared>>)
    %dma_wait3A_308 = arith.constant 1 : i32
    %dma_wait3A_309 = arith.constant 0 : i32
    %dma_wait3A_310 = arith.constant 0 : i32
    %dma_wait3A_311 = arith.constant 0 : i32
    %dma_wait3A_312 = tpu.memref_slice %arg9[%dma_wait3A_308, %dma_wait3A_310, %dma_wait3A_311] : memref<3x1664x16xf32, #tpu.memory_space<vmem>> -> memref<1x1664x16xf32, #tpu.memory_space<vmem>>
    %dma_wait3A_313 = tpu.memref_squeeze %dma_wait3A_312 : memref<1x1664x16xf32, #tpu.memory_space<vmem>> -> memref<1664x16xf32, #tpu.memory_space<vmem>>
    %dma_wait3A_314 = arith.constant 0 : i32
    %dma_wait3A_315 = tpu.memref_slice %arg7[%dma_wait3A_309, %dma_wait3A_314] : memref<6x1664xi32, #tpu.memory_space<vmem>> -> memref<1x1664xi32, #tpu.memory_space<vmem>>
    %dma_wait3A_316 = tpu.memref_squeeze %dma_wait3A_315 : memref<1x1664xi32, #tpu.memory_space<vmem>> -> memref<1664xi32, #tpu.memory_space<vmem>>
    %dma_wait3A_317 = arith.constant 0 : i32
    %dma_wait3A_318 = arith.constant 0 : i32
    %dma_wait3A_319 = tpu.memref_slice %arg11[%dma_wait3A_317, %dma_wait3A_318] : memref<10240x16xf32, #tpu.memory_space<vmem_shared>> -> memref<10240x16xf32, #tpu.memory_space<vmem_shared>>
    tpu.wait_indirect_dma semaphore(%arg16 : memref<!tpu.dma_semaphore, #tpu.memory_space<semaphore_mem>>) src(%dma_wait3A_313 : memref<1664x16xf32, #tpu.memory_space<vmem>>) dst(%dma_wait3A_319 : memref<10240x16xf32, #tpu.memory_space<vmem_shared>>)
    %dma_wait3A_320 = arith.constant 2 : i32
    %dma_wait3A_321 = arith.constant 0 : i32
    %dma_wait3A_322 = arith.constant 0 : i32
    %dma_wait3A_323 = arith.constant 0 : i32
    %dma_wait3A_324 = tpu.memref_slice %arg9[%dma_wait3A_320, %dma_wait3A_322, %dma_wait3A_323] : memref<3x1664x16xf32, #tpu.memory_space<vmem>> -> memref<1x1664x16xf32, #tpu.memory_space<vmem>>
    %dma_wait3A_325 = tpu.memref_squeeze %dma_wait3A_324 : memref<1x1664x16xf32, #tpu.memory_space<vmem>> -> memref<1664x16xf32, #tpu.memory_space<vmem>>
    %dma_wait3A_326 = arith.constant 0 : i32
    %dma_wait3A_327 = tpu.memref_slice %arg7[%dma_wait3A_321, %dma_wait3A_326] : memref<6x1664xi32, #tpu.memory_space<vmem>> -> memref<1x1664xi32, #tpu.memory_space<vmem>>
    %dma_wait3A_328 = tpu.memref_squeeze %dma_wait3A_327 : memref<1x1664xi32, #tpu.memory_space<vmem>> -> memref<1664xi32, #tpu.memory_space<vmem>>
    %dma_wait3A_329 = arith.constant 0 : i32
    %dma_wait3A_330 = arith.constant 0 : i32
    %dma_wait3A_331 = tpu.memref_slice %arg11[%dma_wait3A_329, %dma_wait3A_330] : memref<10240x16xf32, #tpu.memory_space<vmem_shared>> -> memref<10240x16xf32, #tpu.memory_space<vmem_shared>>
    tpu.wait_indirect_dma semaphore(%arg17 : memref<!tpu.dma_semaphore, #tpu.memory_space<semaphore_mem>>) src(%dma_wait3A_325 : memref<1664x16xf32, #tpu.memory_space<vmem>>) dst(%dma_wait3A_331 : memref<10240x16xf32, #tpu.memory_space<vmem_shared>>)
    %lt3A_332 = arith.constant 4 : i32
    %lt3A_333 = arith.cmpi slt, %add3A, %lt3A_332 : i32
    %convert_element_type3A_334 = arith.extui %lt3A_333 : i1 to i32
    %cond3A_335 = arith.constant 0 : i32
    %cond3A_336 = arith.cmpi ne, %convert_element_type3A_334, %cond3A_335 : i32
    scf.if %cond3A_336 {
      %run_scoped3A = arith.constant 0 : i32
      %run_scoped3A_342 = arith.constant 0 : i32
      "tpu.region"() ({
        %run_scoped3A_345 = tpu.sem_alloc : memref<!tpu.dma_semaphore, #tpu.memory_space<semaphore_mem>>
        %dma_start3A_346 = arith.constant 0 : i32
        %dma_start3A_347 = arith.constant 0 : i32
        %dma_start3A_348 = tpu.memref_slice %arg9[%run_scoped3A_342, %dma_start3A_346, %dma_start3A_347] : memref<3x1664x16xf32, #tpu.memory_space<vmem>> -> memref<1x128x16xf32, #tpu.memory_space<vmem>>
        %dma_start3A_349 = tpu.memref_squeeze %dma_start3A_348 : memref<1x128x16xf32, #tpu.memory_space<vmem>> -> memref<128x16xf32, #tpu.memory_space<vmem>>
        %dma_start3A_350 = arith.constant 0 : i32
        %dma_start3A_351 = tpu.memref_slice %arg8[%run_scoped3A, %dma_start3A_350] : memref<2x128xi32, #tpu.memory_space<vmem>> -> memref<1x128xi32, #tpu.memory_space<vmem>>
        %dma_start3A_352 = tpu.memref_squeeze %dma_start3A_351 : memref<1x128xi32, #tpu.memory_space<vmem>> -> memref<128xi32, #tpu.memory_space<vmem>>
        %dma_start3A_353 = arith.constant 0 : i32
        %dma_start3A_354 = arith.constant 0 : i32
        %dma_start3A_355 = tpu.memref_slice %arg2[%dma_start3A_353, %dma_start3A_354] : memref<10000x16xf32, #tpu.memory_space<hbm>> -> memref<10000x16xf32, #tpu.memory_space<hbm>>
        tpu.enqueue_indirect_dma source(%dma_start3A_355 : memref<10000x16xf32, #tpu.memory_space<hbm>>) target(%dma_start3A_349 : memref<128x16xf32, #tpu.memory_space<vmem>>) offsets(%dma_start3A_352 : memref<128xi32, #tpu.memory_space<vmem>>) semaphore(%run_scoped3A_345 : memref<!tpu.dma_semaphore, #tpu.memory_space<semaphore_mem>>)
        %dma_wait3A_356 = arith.constant 0 : i32
        %dma_wait3A_357 = arith.constant 0 : i32
        %dma_wait3A_358 = tpu.memref_slice %arg9[%run_scoped3A_342, %dma_wait3A_356, %dma_wait3A_357] : memref<3x1664x16xf32, #tpu.memory_space<vmem>> -> memref<1x128x16xf32, #tpu.memory_space<vmem>>
        %dma_wait3A_359 = tpu.memref_squeeze %dma_wait3A_358 : memref<1x128x16xf32, #tpu.memory_space<vmem>> -> memref<128x16xf32, #tpu.memory_space<vmem>>
        %dma_wait3A_360 = arith.constant 0 : i32
        %dma_wait3A_361 = tpu.memref_slice %arg8[%run_scoped3A, %dma_wait3A_360] : memref<2x128xi32, #tpu.memory_space<vmem>> -> memref<1x128xi32, #tpu.memory_space<vmem>>
        %dma_wait3A_362 = tpu.memref_squeeze %dma_wait3A_361 : memref<1x128xi32, #tpu.memory_space<vmem>> -> memref<128xi32, #tpu.memory_space<vmem>>
        %dma_wait3A_363 = arith.constant 0 : i32
        %dma_wait3A_364 = arith.constant 0 : i32
        %dma_wait3A_365 = tpu.memref_slice %arg2[%dma_wait3A_363, %dma_wait3A_364] : memref<10000x16xf32, #tpu.memory_space<hbm>> -> memref<10000x16xf32, #tpu.memory_space<hbm>>
        tpu.wait_indirect_dma semaphore(%run_scoped3A_345 : memref<!tpu.dma_semaphore, #tpu.memory_space<semaphore_mem>>) src(%dma_wait3A_365 : memref<10000x16xf32, #tpu.memory_space<hbm>>) dst(%dma_wait3A_359 : memref<128x16xf32, #tpu.memory_space<vmem>>)
        tpu.yield
      }) : () -> ()
      %run_scoped3A_343 = arith.constant 0 : i32
      %run_scoped3A_344 = arith.constant 1 : i32
      "tpu.region"() ({
        %run_scoped3A_345 = tpu.sem_alloc : memref<!tpu.dma_semaphore, #tpu.memory_space<semaphore_mem>>
        %dma_start3A_346 = arith.constant 0 : i32
        %dma_start3A_347 = arith.constant 0 : i32
        %dma_start3A_348 = tpu.memref_slice %arg9[%run_scoped3A_343, %dma_start3A_346, %dma_start3A_347] : memref<3x1664x16xf32, #tpu.memory_space<vmem>> -> memref<1x128x16xf32, #tpu.memory_space<vmem>>
        %dma_start3A_349 = tpu.memref_squeeze %dma_start3A_348 : memref<1x128x16xf32, #tpu.memory_space<vmem>> -> memref<128x16xf32, #tpu.memory_space<vmem>>
        %dma_start3A_350 = arith.constant 0 : i32
        %dma_start3A_351 = tpu.memref_slice %arg8[%run_scoped3A_344, %dma_start3A_350] : memref<2x128xi32, #tpu.memory_space<vmem>> -> memref<1x128xi32, #tpu.memory_space<vmem>>
        %dma_start3A_352 = tpu.memref_squeeze %dma_start3A_351 : memref<1x128xi32, #tpu.memory_space<vmem>> -> memref<128xi32, #tpu.memory_space<vmem>>
        %dma_start3A_353 = arith.constant 0 : i32
        %dma_start3A_354 = arith.constant 0 : i32
        %dma_start3A_355 = tpu.memref_slice %arg11[%dma_start3A_353, %dma_start3A_354] : memref<10240x16xf32, #tpu.memory_space<vmem_shared>> -> memref<10240x16xf32, #tpu.memory_space<vmem_shared>>
        tpu.enqueue_indirect_dma source(%dma_start3A_349 : memref<128x16xf32, #tpu.memory_space<vmem>>) target(%dma_start3A_355 : memref<10240x16xf32, #tpu.memory_space<vmem_shared>>) offsets(%dma_start3A_352 : memref<128xi32, #tpu.memory_space<vmem>>) semaphore(%run_scoped3A_345 : memref<!tpu.dma_semaphore, #tpu.memory_space<semaphore_mem>>) {add = true}
        %dma_wait3A_356 = arith.constant 0 : i32
        %dma_wait3A_357 = arith.constant 0 : i32
        %dma_wait3A_358 = tpu.memref_slice %arg9[%run_scoped3A_343, %dma_wait3A_356, %dma_wait3A_357] : memref<3x1664x16xf32, #tpu.memory_space<vmem>> -> memref<1x128x16xf32, #tpu.memory_space<vmem>>
        %dma_wait3A_359 = tpu.memref_squeeze %dma_wait3A_358 : memref<1x128x16xf32, #tpu.memory_space<vmem>> -> memref<128x16xf32, #tpu.memory_space<vmem>>
        %dma_wait3A_360 = arith.constant 0 : i32
        %dma_wait3A_361 = tpu.memref_slice %arg8[%run_scoped3A_344, %dma_wait3A_360] : memref<2x128xi32, #tpu.memory_space<vmem>> -> memref<1x128xi32, #tpu.memory_space<vmem>>
        %dma_wait3A_362 = tpu.memref_squeeze %dma_wait3A_361 : memref<1x128xi32, #tpu.memory_space<vmem>> -> memref<128xi32, #tpu.memory_space<vmem>>
        %dma_wait3A_363 = arith.constant 0 : i32
        %dma_wait3A_364 = arith.constant 0 : i32
        %dma_wait3A_365 = tpu.memref_slice %arg11[%dma_wait3A_363, %dma_wait3A_364] : memref<10240x16xf32, #tpu.memory_space<vmem_shared>> -> memref<10240x16xf32, #tpu.memory_space<vmem_shared>>
        tpu.wait_indirect_dma semaphore(%run_scoped3A_345 : memref<!tpu.dma_semaphore, #tpu.memory_space<semaphore_mem>>) src(%dma_wait3A_359 : memref<128x16xf32, #tpu.memory_space<vmem>>) dst(%dma_wait3A_365 : memref<10240x16xf32, #tpu.memory_space<vmem_shared>>)
        tpu.yield
      }) : () -> ()
    } else {
    }
    %barrier3A_337 = arith.constant 0 : index
    tpu.barrier barrier_id(%barrier3A_337)
    %mul3A_338 = arith.constant 640 : i32
    %mul3A_339 = arith.muli %arg1, %mul3A_338 : i32
    %mul3A_340 = arith.constant 640 : i32
    %mul3A_341 = arith.muli %arg1, %mul3A_340 : i32
    "tpu.region"() ({
      %run_scoped3A = tpu.sem_alloc : memref<!tpu.dma_semaphore, #tpu.memory_space<semaphore_mem>>
      %dma_start3A_342 = arith.constant 0 : i32
      %dma_start3A_343 = tpu.memref_slice %arg5[%arg0, %mul3A_341, %dma_start3A_342] : memref<2x10240x16xf32, #tpu.memory_space<hbm>> -> memref<1x640x16xf32, #tpu.memory_space<hbm>>
      %dma_start3A_344 = tpu.memref_squeeze %dma_start3A_343 : memref<1x640x16xf32, #tpu.memory_space<hbm>> -> memref<640x16xf32, #tpu.memory_space<hbm>>
      %dma_start3A_345 = arith.constant 0 : i32
      %dma_start3A_346 = tpu.memref_slice %arg11[%mul3A_339, %dma_start3A_345] : memref<10240x16xf32, #tpu.memory_space<vmem_shared>> -> memref<640x16xf32, #tpu.memory_space<vmem_shared>>
      tpu.enqueue_dma source(%dma_start3A_346 : memref<640x16xf32, #tpu.memory_space<vmem_shared>>) target(%dma_start3A_344 : memref<640x16xf32, #tpu.memory_space<hbm>>) target_semaphore(%run_scoped3A : memref<!tpu.dma_semaphore, #tpu.memory_space<semaphore_mem>>)
      %dma_wait3A_347 = arith.constant 0 : i32
      %dma_wait3A_348 = tpu.memref_slice %arg5[%arg0, %mul3A_341, %dma_wait3A_347] : memref<2x10240x16xf32, #tpu.memory_space<hbm>> -> memref<1x640x16xf32, #tpu.memory_space<hbm>>
      %dma_wait3A_349 = tpu.memref_squeeze %dma_wait3A_348 : memref<1x640x16xf32, #tpu.memory_space<hbm>> -> memref<640x16xf32, #tpu.memory_space<hbm>>
      %dma_wait3A_350 = arith.constant 0 : i32
      %dma_wait3A_351 = tpu.memref_slice %arg11[%mul3A_339, %dma_wait3A_350] : memref<10240x16xf32, #tpu.memory_space<vmem_shared>> -> memref<640x16xf32, #tpu.memory_space<vmem_shared>>
      tpu.wait_dma2 semaphore(%run_scoped3A : memref<!tpu.dma_semaphore, #tpu.memory_space<semaphore_mem>>) src(%dma_wait3A_351 : memref<640x16xf32, #tpu.memory_space<vmem_shared>>) dst(%dma_wait3A_349 : memref<640x16xf32, #tpu.memory_space<hbm>>)
      tpu.yield
    }) : () -> ()
    return
  }
}

#map = affine_map<(d0, d1) -> (0, 0)>
#map1 = affine_map<(d0, d1) -> (0, 0, 0, 0)>
#map2 = affine_map<(d0, d1) -> (0, 0, 0)>
module attributes {stable_mosaic.version = 14 : i64} {
  func.func @segsum_kernel(%arg0: i32, %arg1: i32, %arg2: memref<10240x16xf32, #tpu.memory_space<hbm>>, %arg3: memref<2x32x6x1664xi32, #tpu.memory_space<hbm>>, %arg4: memref<2x4x128xi32, #tpu.memory_space<hbm>>, %arg5: memref<2x10240x16xf32, #tpu.memory_space<hbm>>, %arg6: memref<6x1664xi32, #tpu.memory_space<vmem>>, %arg7: memref<6x1664xi32, #tpu.memory_space<vmem>>, %arg8: memref<2x128xi32, #tpu.memory_space<vmem>>, %arg9: memref<3x1664x16xf32, #tpu.memory_space<vmem>>, %arg10: memref<640x16xf32, #tpu.memory_space<vmem>>, %arg11: memref<10240x16xf32, #tpu.memory_space<vmem_shared>>, %arg12: memref<!tpu.dma_semaphore, #tpu.memory_space<semaphore_mem>>, %arg13: memref<!tpu.dma_semaphore, #tpu.memory_space<semaphore_mem>>, %arg14: memref<!tpu.dma_semaphore, #tpu.memory_space<semaphore_mem>>, %arg15: memref<!tpu.dma_semaphore, #tpu.memory_space<semaphore_mem>>, %arg16: memref<!tpu.dma_semaphore, #tpu.memory_space<semaphore_mem>>, %arg17: memref<!tpu.dma_semaphore, #tpu.memory_space<semaphore_mem>>) attributes {dimension_semantics = [#tpu.dimension_semantics<core_parallel>, #tpu.dimension_semantics<subcore_parallel>], iteration_bounds = array<i64: 2, 16>, scalar_prefetch = 0 : i64, scratch_operands = 12 : i64, tpu.core_type = #tpu.core_type<sc_vector_subcore>, window_params = [{transform_indices = #map}, {transform_indices = #map1}, {transform_indices = #map2}, {transform_indices = #map2}]} {
    %mul3A = arith.constant 16 : i32
    %mul3A_0 = arith.muli %arg0, %mul3A : i32
    %add3A = arith.addi %mul3A_0, %arg1 : i32
    %dma_start3A = arith.constant 0 : i32
    %dma_start3A_1 = arith.constant 0 : i32
    %dma_start3A_2 = arith.constant 0 : i32
    %dma_start3A_3 = tpu.memref_slice %arg3[%dma_start3A, %add3A, %dma_start3A_1, %dma_start3A_2] : memref<2x32x6x1664xi32, #tpu.memory_space<hbm>> -> memref<1x1x6x1664xi32, #tpu.memory_space<hbm>>
    %dma_start3A_4 = tpu.memref_squeeze %dma_start3A_3 : memref<1x1x6x1664xi32, #tpu.memory_space<hbm>> -> memref<6x1664xi32, #tpu.memory_space<hbm>>
    %dma_start3A_5 = arith.constant 0 : i32
    %dma_start3A_6 = arith.constant 0 : i32
    %dma_start3A_7 = tpu.memref_slice %arg3[%dma_start3A, %add3A, %dma_start3A_5, %dma_start3A_6] : memref<2x32x6x1664xi32, #tpu.memory_space<hbm>> -> memref<1x1x6x1664xi32, #tpu.memory_space<hbm>>
    %dma_start3A_8 = tpu.memref_squeeze %dma_start3A_7 : memref<1x1x6x1664xi32, #tpu.memory_space<hbm>> -> memref<6x1664xi32, #tpu.memory_space<hbm>>
    tpu.enqueue_dma source(%dma_start3A_8 : memref<6x1664xi32, #tpu.memory_space<hbm>>) target(%arg6 : memref<6x1664xi32, #tpu.memory_space<vmem>>) target_semaphore(%arg12 : memref<!tpu.dma_semaphore, #tpu.memory_space<semaphore_mem>>)
    %dma_start3A_9 = arith.constant 1 : i32
    %dma_start3A_10 = arith.constant 0 : i32
    %dma_start3A_11 = arith.constant 0 : i32
    %dma_start3A_12 = tpu.memref_slice %arg3[%dma_start3A_9, %add3A, %dma_start3A_10, %dma_start3A_11] : memref<2x32x6x1664xi32, #tpu.memory_space<hbm>> -> memref<1x1x6x1664xi32, #tpu.memory_space<hbm>>
    %dma_start3A_13 = tpu.memref_squeeze %dma_start3A_12 : memref<1x1x6x1664xi32, #tpu.memory_space<hbm>> -> memref<6x1664xi32, #tpu.memory_space<hbm>>
    %dma_start3A_14 = arith.constant 0 : i32
    %dma_start3A_15 = arith.constant 0 : i32
    %dma_start3A_16 = tpu.memref_slice %arg3[%dma_start3A_9, %add3A, %dma_start3A_14, %dma_start3A_15] : memref<2x32x6x1664xi32, #tpu.memory_space<hbm>> -> memref<1x1x6x1664xi32, #tpu.memory_space<hbm>>
    %dma_start3A_17 = tpu.memref_squeeze %dma_start3A_16 : memref<1x1x6x1664xi32, #tpu.memory_space<hbm>> -> memref<6x1664xi32, #tpu.memory_space<hbm>>
    tpu.enqueue_dma source(%dma_start3A_17 : memref<6x1664xi32, #tpu.memory_space<hbm>>) target(%arg7 : memref<6x1664xi32, #tpu.memory_space<vmem>>) target_semaphore(%arg15 : memref<!tpu.dma_semaphore, #tpu.memory_space<semaphore_mem>>)
    %broadcast_in_dim3A = arith.constant 0.000000e+00 : f32
    %broadcast_in_dim3A_18 = vector.broadcast %broadcast_in_dim3A : f32 to vector<16xf32>
    %scan3A = arith.constant 0 : i32
    %scan3A_19 = arith.constant 640 : i32
    %scan3A_20 = arith.addi %scan3A, %scan3A_19 : i32
    %scan3A_21 = arith.constant 1 : i32
    scf.for %scan3A_342 = %scan3A to %scan3A_20 step %scan3A_21  : i32 {
      %mul3A_343 = arith.constant 1 : i32
      %mul3A_344 = arith.muli %scan3A_342, %mul3A_343 : i32
      %add3A_345 = arith.constant 0 : i32
      %add3A_346 = arith.addi %add3A_345, %mul3A_344 : i32
      %swap3A = arith.index_cast %add3A_346 : i32 to index
      %swap3A_347 = arith.constant 0 : index
      %swap3A_348 = tpu.vector_load %arg10[%swap3A, %swap3A_347] {strides = array<i32>} : memref<640x16xf32, #tpu.memory_space<vmem>>, vector<1x16xf32>,
      %swap3A_349 = vector.shape_cast %swap3A_348 : vector<1x16xf32> to vector<16xf32>
      %swap3A_350 = vector.shape_cast %broadcast_in_dim3A_18 : vector<16xf32> to vector<1x16xf32>
      tpu.vector_store %arg10[%swap3A, %swap3A_347], %swap3A_350 {strides = array<i32>} : memref<640x16xf32, #tpu.memory_space<vmem>>, vector<1x16xf32>,
    }
    %scan3A_22 = arith.constant 640 : i32
    %dma_wait3A = arith.constant 0 : i32
    %dma_wait3A_23 = arith.constant 0 : i32
    %dma_wait3A_24 = arith.constant 0 : i32
    %dma_wait3A_25 = tpu.memref_slice %arg3[%dma_wait3A, %add3A, %dma_wait3A_23, %dma_wait3A_24] : memref<2x32x6x1664xi32, #tpu.memory_space<hbm>> -> memref<1x1x6x1664xi32, #tpu.memory_space<hbm>>
    %dma_wait3A_26 = tpu.memref_squeeze %dma_wait3A_25 : memref<1x1x6x1664xi32, #tpu.memory_space<hbm>> -> memref<6x1664xi32, #tpu.memory_space<hbm>>
    %dma_wait3A_27 = arith.constant 0 : i32
    %dma_wait3A_28 = arith.constant 0 : i32
    %dma_wait3A_29 = tpu.memref_slice %arg3[%dma_wait3A, %add3A, %dma_wait3A_27, %dma_wait3A_28] : memref<2x32x6x1664xi32, #tpu.memory_space<hbm>> -> memref<1x1x6x1664xi32, #tpu.memory_space<hbm>>
    %dma_wait3A_30 = tpu.memref_squeeze %dma_wait3A_29 : memref<1x1x6x1664xi32, #tpu.memory_space<hbm>> -> memref<6x1664xi32, #tpu.memory_space<hbm>>
    tpu.wait_dma2 semaphore(%arg12 : memref<!tpu.dma_semaphore, #tpu.memory_space<semaphore_mem>>) src(%dma_wait3A_30 : memref<6x1664xi32, #tpu.memory_space<hbm>>) dst(%arg6 : memref<6x1664xi32, #tpu.memory_space<vmem>>)
    %dma_start3A_31 = arith.constant 0 : i32
    %dma_start3A_32 = arith.constant 0 : i32
    %dma_start3A_33 = arith.constant 0 : i32
    %dma_start3A_34 = arith.constant 0 : i32
    %dma_start3A_35 = tpu.memref_slice %arg9[%dma_start3A_32, %dma_start3A_33, %dma_start3A_34] : memref<3x1664x16xf32, #tpu.memory_space<vmem>> -> memref<1x1664x16xf32, #tpu.memory_space<vmem>>
    %dma_start3A_36 = tpu.memref_squeeze %dma_start3A_35 : memref<1x1664x16xf32, #tpu.memory_space<vmem>> -> memref<1664x16xf32, #tpu.memory_space<vmem>>
    %dma_start3A_37 = arith.constant 0 : i32
    %dma_start3A_38 = tpu.memref_slice %arg6[%dma_start3A_31, %dma_start3A_37] : memref<6x1664xi32, #tpu.memory_space<vmem>> -> memref<1x1664xi32, #tpu.memory_space<vmem>>
    %dma_start3A_39 = tpu.memref_squeeze %dma_start3A_38 : memref<1x1664xi32, #tpu.memory_space<vmem>> -> memref<1664xi32, #tpu.memory_space<vmem>>
    %dma_start3A_40 = arith.constant 0 : i32
    %dma_start3A_41 = arith.constant 0 : i32
    %dma_start3A_42 = tpu.memref_slice %arg2[%dma_start3A_40, %dma_start3A_41] : memref<10240x16xf32, #tpu.memory_space<hbm>> -> memref<10240x16xf32, #tpu.memory_space<hbm>>
    tpu.enqueue_indirect_dma source(%dma_start3A_42 : memref<10240x16xf32, #tpu.memory_space<hbm>>) target(%dma_start3A_36 : memref<1664x16xf32, #tpu.memory_space<vmem>>) offsets(%dma_start3A_39 : memref<1664xi32, #tpu.memory_space<vmem>>) semaphore(%arg12 : memref<!tpu.dma_semaphore, #tpu.memory_space<semaphore_mem>>)
    %dma_start3A_43 = arith.constant 1 : i32
    %dma_start3A_44 = arith.constant 1 : i32
    %dma_start3A_45 = arith.constant 0 : i32
    %dma_start3A_46 = arith.constant 0 : i32
    %dma_start3A_47 = tpu.memref_slice %arg9[%dma_start3A_44, %dma_start3A_45, %dma_start3A_46] : memref<3x1664x16xf32, #tpu.memory_space<vmem>> -> memref<1x1664x16xf32, #tpu.memory_space<vmem>>
    %dma_start3A_48 = tpu.memref_squeeze %dma_start3A_47 : memref<1x1664x16xf32, #tpu.memory_space<vmem>> -> memref<1664x16xf32, #tpu.memory_space<vmem>>
    %dma_start3A_49 = arith.constant 0 : i32
    %dma_start3A_50 = tpu.memref_slice %arg6[%dma_start3A_43, %dma_start3A_49] : memref<6x1664xi32, #tpu.memory_space<vmem>> -> memref<1x1664xi32, #tpu.memory_space<vmem>>
    %dma_start3A_51 = tpu.memref_squeeze %dma_start3A_50 : memref<1x1664xi32, #tpu.memory_space<vmem>> -> memref<1664xi32, #tpu.memory_space<vmem>>
    %dma_start3A_52 = arith.constant 0 : i32
    %dma_start3A_53 = arith.constant 0 : i32
    %dma_start3A_54 = tpu.memref_slice %arg2[%dma_start3A_52, %dma_start3A_53] : memref<10240x16xf32, #tpu.memory_space<hbm>> -> memref<10240x16xf32, #tpu.memory_space<hbm>>
    tpu.enqueue_indirect_dma source(%dma_start3A_54 : memref<10240x16xf32, #tpu.memory_space<hbm>>) target(%dma_start3A_48 : memref<1664x16xf32, #tpu.memory_space<vmem>>) offsets(%dma_start3A_51 : memref<1664xi32, #tpu.memory_space<vmem>>) semaphore(%arg13 : memref<!tpu.dma_semaphore, #tpu.memory_space<semaphore_mem>>)
    %dma_start3A_55 = arith.constant 2 : i32
    %dma_start3A_56 = arith.constant 2 : i32
    %dma_start3A_57 = arith.constant 0 : i32
    %dma_start3A_58 = arith.constant 0 : i32
    %dma_start3A_59 = tpu.memref_slice %arg9[%dma_start3A_56, %dma_start3A_57, %dma_start3A_58] : memref<3x1664x16xf32, #tpu.memory_space<vmem>> -> memref<1x1664x16xf32, #tpu.memory_space<vmem>>
    %dma_start3A_60 = tpu.memref_squeeze %dma_start3A_59 : memref<1x1664x16xf32, #tpu.memory_space<vmem>> -> memref<1664x16xf32, #tpu.memory_space<vmem>>
    %dma_start3A_61 = arith.constant 0 : i32
    %dma_start3A_62 = tpu.memref_slice %arg6[%dma_start3A_55, %dma_start3A_61] : memref<6x1664xi32, #tpu.memory_space<vmem>> -> memref<1x1664xi32, #tpu.memory_space<vmem>>
    %dma_start3A_63 = tpu.memref_squeeze %dma_start3A_62 : memref<1x1664xi32, #tpu.memory_space<vmem>> -> memref<1664xi32, #tpu.memory_space<vmem>>
    %dma_start3A_64 = arith.constant 0 : i32
    %dma_start3A_65 = arith.constant 0 : i32
    %dma_start3A_66 = tpu.memref_slice %arg2[%dma_start3A_64, %dma_start3A_65] : memref<10240x16xf32, #tpu.memory_space<hbm>> -> memref<10240x16xf32, #tpu.memory_space<hbm>>
    tpu.enqueue_indirect_dma source(%dma_start3A_66 : memref<10240x16xf32, #tpu.memory_space<hbm>>) target(%dma_start3A_60 : memref<1664x16xf32, #tpu.memory_space<vmem>>) offsets(%dma_start3A_63 : memref<1664xi32, #tpu.memory_space<vmem>>) semaphore(%arg14 : memref<!tpu.dma_semaphore, #tpu.memory_space<semaphore_mem>>)
    %mul3A_67 = arith.constant 640 : i32
    %mul3A_68 = arith.muli %arg1, %mul3A_67 : i32
    "tpu.region"() ({
      %run_scoped3A = tpu.sem_alloc : memref<!tpu.dma_semaphore, #tpu.memory_space<semaphore_mem>>
      %dma_start3A_342 = arith.constant 0 : i32
      %dma_start3A_343 = tpu.memref_slice %arg11[%mul3A_68, %dma_start3A_342] : memref<10240x16xf32, #tpu.memory_space<vmem_shared>> -> memref<640x16xf32, #tpu.memory_space<vmem_shared>>
      %dma_start3A_344 = arith.constant 0 : i32
      %dma_start3A_345 = tpu.memref_slice %arg11[%mul3A_68, %dma_start3A_344] : memref<10240x16xf32, #tpu.memory_space<vmem_shared>> -> memref<640x16xf32, #tpu.memory_space<vmem_shared>>
      tpu.enqueue_dma source(%arg10 : memref<640x16xf32, #tpu.memory_space<vmem>>) target(%dma_start3A_345 : memref<640x16xf32, #tpu.memory_space<vmem_shared>>) target_semaphore(%run_scoped3A : memref<!tpu.dma_semaphore, #tpu.memory_space<semaphore_mem>>)
      %dma_wait3A_346 = arith.constant 0 : i32
      %dma_wait3A_347 = tpu.memref_slice %arg11[%mul3A_68, %dma_wait3A_346] : memref<10240x16xf32, #tpu.memory_space<vmem_shared>> -> memref<640x16xf32, #tpu.memory_space<vmem_shared>>
      %dma_wait3A_348 = arith.constant 0 : i32
      %dma_wait3A_349 = tpu.memref_slice %arg11[%mul3A_68, %dma_wait3A_348] : memref<10240x16xf32, #tpu.memory_space<vmem_shared>> -> memref<640x16xf32, #tpu.memory_space<vmem_shared>>
      tpu.wait_dma2 semaphore(%run_scoped3A : memref<!tpu.dma_semaphore, #tpu.memory_space<semaphore_mem>>) src(%arg10 : memref<640x16xf32, #tpu.memory_space<vmem>>) dst(%dma_wait3A_349 : memref<640x16xf32, #tpu.memory_space<vmem_shared>>)
      tpu.yield
    }) : () -> ()
    %dma_wait3A_69 = arith.constant 1 : i32
    %dma_wait3A_70 = arith.constant 0 : i32
    %dma_wait3A_71 = arith.constant 0 : i32
    %dma_wait3A_72 = tpu.memref_slice %arg3[%dma_wait3A_69, %add3A, %dma_wait3A_70, %dma_wait3A_71] : memref<2x32x6x1664xi32, #tpu.memory_space<hbm>> -> memref<1x1x6x1664xi32, #tpu.memory_space<hbm>>
    %dma_wait3A_73 = tpu.memref_squeeze %dma_wait3A_72 : memref<1x1x6x1664xi32, #tpu.memory_space<hbm>> -> memref<6x1664xi32, #tpu.memory_space<hbm>>
    %dma_wait3A_74 = arith.constant 0 : i32
    %dma_wait3A_75 = arith.constant 0 : i32
    %dma_wait3A_76 = tpu.memref_slice %arg3[%dma_wait3A_69, %add3A, %dma_wait3A_74, %dma_wait3A_75] : memref<2x32x6x1664xi32, #tpu.memory_space<hbm>> -> memref<1x1x6x1664xi32, #tpu.memory_space<hbm>>
    %dma_wait3A_77 = tpu.memref_squeeze %dma_wait3A_76 : memref<1x1x6x1664xi32, #tpu.memory_space<hbm>> -> memref<6x1664xi32, #tpu.memory_space<hbm>>
    tpu.wait_dma2 semaphore(%arg15 : memref<!tpu.dma_semaphore, #tpu.memory_space<semaphore_mem>>) src(%dma_wait3A_77 : memref<6x1664xi32, #tpu.memory_space<hbm>>) dst(%arg7 : memref<6x1664xi32, #tpu.memory_space<vmem>>)
    %lt3A = arith.constant 4 : i32
    %lt3A_78 = arith.cmpi slt, %add3A, %lt3A : i32
    %convert_element_type3A = arith.extui %lt3A_78 : i1 to i32
    %cond3A = arith.constant 0 : i32
    %cond3A_79 = arith.cmpi ne, %convert_element_type3A, %cond3A : i32
    scf.if %cond3A_79 {
      %run_scoped3A = arith.constant 0 : i32
      "tpu.region"() ({
        %run_scoped3A_343 = tpu.sem_alloc : memref<!tpu.dma_semaphore, #tpu.memory_space<semaphore_mem>>
        %dma_start3A_344 = arith.constant 0 : i32
        %dma_start3A_345 = arith.constant 0 : i32
        %dma_start3A_346 = tpu.memref_slice %arg8[%dma_start3A_344, %dma_start3A_345] : memref<2x128xi32, #tpu.memory_space<vmem>> -> memref<1x128xi32, #tpu.memory_space<vmem>>
        %dma_start3A_347 = arith.constant 0 : i32
        %dma_start3A_348 = tpu.memref_slice %arg4[%run_scoped3A, %add3A, %dma_start3A_347] : memref<2x4x128xi32, #tpu.memory_space<hbm>> -> memref<1x1x128xi32, #tpu.memory_space<hbm>>
        %dma_start3A_349 = tpu.memref_squeeze %dma_start3A_348 : memref<1x1x128xi32, #tpu.memory_space<hbm>> -> memref<1x128xi32, #tpu.memory_space<hbm>>
        %dma_start3A_350 = arith.constant 0 : i32
        %dma_start3A_351 = arith.constant 0 : i32
        %dma_start3A_352 = tpu.memref_slice %arg8[%dma_start3A_350, %dma_start3A_351] : memref<2x128xi32, #tpu.memory_space<vmem>> -> memref<1x128xi32, #tpu.memory_space<vmem>>
        %dma_start3A_353 = arith.constant 0 : i32
        %dma_start3A_354 = tpu.memref_slice %arg4[%run_scoped3A, %add3A, %dma_start3A_353] : memref<2x4x128xi32, #tpu.memory_space<hbm>> -> memref<1x1x128xi32, #tpu.memory_space<hbm>>
        %dma_start3A_355 = tpu.memref_squeeze %dma_start3A_354 : memref<1x1x128xi32, #tpu.memory_space<hbm>> -> memref<1x128xi32, #tpu.memory_space<hbm>>
        tpu.enqueue_dma source(%dma_start3A_355 : memref<1x128xi32, #tpu.memory_space<hbm>>) target(%dma_start3A_352 : memref<1x128xi32, #tpu.memory_space<vmem>>) target_semaphore(%run_scoped3A_343 : memref<!tpu.dma_semaphore, #tpu.memory_space<semaphore_mem>>)
        %dma_wait3A_356 = arith.constant 0 : i32
        %dma_wait3A_357 = arith.constant 0 : i32
        %dma_wait3A_358 = tpu.memref_slice %arg8[%dma_wait3A_356, %dma_wait3A_357] : memref<2x128xi32, #tpu.memory_space<vmem>> -> memref<1x128xi32, #tpu.memory_space<vmem>>
        %dma_wait3A_359 = arith.constant 0 : i32
        %dma_wait3A_360 = tpu.memref_slice %arg4[%run_scoped3A, %add3A, %dma_wait3A_359] : memref<2x4x128xi32, #tpu.memory_space<hbm>> -> memref<1x1x128xi32, #tpu.memory_space<hbm>>
        %dma_wait3A_361 = tpu.memref_squeeze %dma_wait3A_360 : memref<1x1x128xi32, #tpu.memory_space<hbm>> -> memref<1x128xi32, #tpu.memory_space<hbm>>
        %dma_wait3A_362 = arith.constant 0 : i32
        %dma_wait3A_363 = arith.constant 0 : i32
        %dma_wait3A_364 = tpu.memref_slice %arg8[%dma_wait3A_362, %dma_wait3A_363] : memref<2x128xi32, #tpu.memory_space<vmem>> -> memref<1x128xi32, #tpu.memory_space<vmem>>
        %dma_wait3A_365 = arith.constant 0 : i32
        %dma_wait3A_366 = tpu.memref_slice %arg4[%run_scoped3A, %add3A, %dma_wait3A_365] : memref<2x4x128xi32, #tpu.memory_space<hbm>> -> memref<1x1x128xi32, #tpu.memory_space<hbm>>
        %dma_wait3A_367 = tpu.memref_squeeze %dma_wait3A_366 : memref<1x1x128xi32, #tpu.memory_space<hbm>> -> memref<1x128xi32, #tpu.memory_space<hbm>>
        tpu.wait_dma2 semaphore(%run_scoped3A_343 : memref<!tpu.dma_semaphore, #tpu.memory_space<semaphore_mem>>) src(%dma_wait3A_367 : memref<1x128xi32, #tpu.memory_space<hbm>>) dst(%dma_wait3A_364 : memref<1x128xi32, #tpu.memory_space<vmem>>)
        tpu.yield
      }) : () -> ()
      %run_scoped3A_342 = arith.constant 1 : i32
      "tpu.region"() ({
        %run_scoped3A_343 = tpu.sem_alloc : memref<!tpu.dma_semaphore, #tpu.memory_space<semaphore_mem>>
        %dma_start3A_344 = arith.constant 1 : i32
        %dma_start3A_345 = arith.constant 0 : i32
        %dma_start3A_346 = tpu.memref_slice %arg8[%dma_start3A_344, %dma_start3A_345] : memref<2x128xi32, #tpu.memory_space<vmem>> -> memref<1x128xi32, #tpu.memory_space<vmem>>
        %dma_start3A_347 = arith.constant 0 : i32
        %dma_start3A_348 = tpu.memref_slice %arg4[%run_scoped3A_342, %add3A, %dma_start3A_347] : memref<2x4x128xi32, #tpu.memory_space<hbm>> -> memref<1x1x128xi32, #tpu.memory_space<hbm>>
        %dma_start3A_349 = tpu.memref_squeeze %dma_start3A_348 : memref<1x1x128xi32, #tpu.memory_space<hbm>> -> memref<1x128xi32, #tpu.memory_space<hbm>>
        %dma_start3A_350 = arith.constant 1 : i32
        %dma_start3A_351 = arith.constant 0 : i32
        %dma_start3A_352 = tpu.memref_slice %arg8[%dma_start3A_350, %dma_start3A_351] : memref<2x128xi32, #tpu.memory_space<vmem>> -> memref<1x128xi32, #tpu.memory_space<vmem>>
        %dma_start3A_353 = arith.constant 0 : i32
        %dma_start3A_354 = tpu.memref_slice %arg4[%run_scoped3A_342, %add3A, %dma_start3A_353] : memref<2x4x128xi32, #tpu.memory_space<hbm>> -> memref<1x1x128xi32, #tpu.memory_space<hbm>>
        %dma_start3A_355 = tpu.memref_squeeze %dma_start3A_354 : memref<1x1x128xi32, #tpu.memory_space<hbm>> -> memref<1x128xi32, #tpu.memory_space<hbm>>
        tpu.enqueue_dma source(%dma_start3A_355 : memref<1x128xi32, #tpu.memory_space<hbm>>) target(%dma_start3A_352 : memref<1x128xi32, #tpu.memory_space<vmem>>) target_semaphore(%run_scoped3A_343 : memref<!tpu.dma_semaphore, #tpu.memory_space<semaphore_mem>>)
        %dma_wait3A_356 = arith.constant 1 : i32
        %dma_wait3A_357 = arith.constant 0 : i32
        %dma_wait3A_358 = tpu.memref_slice %arg8[%dma_wait3A_356, %dma_wait3A_357] : memref<2x128xi32, #tpu.memory_space<vmem>> -> memref<1x128xi32, #tpu.memory_space<vmem>>
        %dma_wait3A_359 = arith.constant 0 : i32
        %dma_wait3A_360 = tpu.memref_slice %arg4[%run_scoped3A_342, %add3A, %dma_wait3A_359] : memref<2x4x128xi32, #tpu.memory_space<hbm>> -> memref<1x1x128xi32, #tpu.memory_space<hbm>>
        %dma_wait3A_361 = tpu.memref_squeeze %dma_wait3A_360 : memref<1x1x128xi32, #tpu.memory_space<hbm>> -> memref<1x128xi32, #tpu.memory_space<hbm>>
        %dma_wait3A_362 = arith.constant 1 : i32
        %dma_wait3A_363 = arith.constant 0 : i32
        %dma_wait3A_364 = tpu.memref_slice %arg8[%dma_wait3A_362, %dma_wait3A_363] : memref<2x128xi32, #tpu.memory_space<vmem>> -> memref<1x128xi32, #tpu.memory_space<vmem>>
        %dma_wait3A_365 = arith.constant 0 : i32
        %dma_wait3A_366 = tpu.memref_slice %arg4[%run_scoped3A_342, %add3A, %dma_wait3A_365] : memref<2x4x128xi32, #tpu.memory_space<hbm>> -> memref<1x1x128xi32, #tpu.memory_space<hbm>>
        %dma_wait3A_367 = tpu.memref_squeeze %dma_wait3A_366 : memref<1x1x128xi32, #tpu.memory_space<hbm>> -> memref<1x128xi32, #tpu.memory_space<hbm>>
        tpu.wait_dma2 semaphore(%run_scoped3A_343 : memref<!tpu.dma_semaphore, #tpu.memory_space<semaphore_mem>>) src(%dma_wait3A_367 : memref<1x128xi32, #tpu.memory_space<hbm>>) dst(%dma_wait3A_364 : memref<1x128xi32, #tpu.memory_space<vmem>>)
        tpu.yield
      }) : () -> ()
    } else {
    }
    %barrier3A = arith.constant 0 : index
    tpu.barrier barrier_id(%barrier3A)
    %dma_wait3A_80 = arith.constant 0 : i32
    %dma_wait3A_81 = arith.constant 0 : i32
    %dma_wait3A_82 = arith.constant 0 : i32
    %dma_wait3A_83 = arith.constant 0 : i32
    %dma_wait3A_84 = tpu.memref_slice %arg9[%dma_wait3A_81, %dma_wait3A_82, %dma_wait3A_83] : memref<3x1664x16xf32, #tpu.memory_space<vmem>> -> memref<1x1664x16xf32, #tpu.memory_space<vmem>>
    %dma_wait3A_85 = tpu.memref_squeeze %dma_wait3A_84 : memref<1x1664x16xf32, #tpu.memory_space<vmem>> -> memref<1664x16xf32, #tpu.memory_space<vmem>>
    %dma_wait3A_86 = arith.constant 0 : i32
    %dma_wait3A_87 = tpu.memref_slice %arg6[%dma_wait3A_80, %dma_wait3A_86] : memref<6x1664xi32, #tpu.memory_space<vmem>> -> memref<1x1664xi32, #tpu.memory_space<vmem>>
    %dma_wait3A_88 = tpu.memref_squeeze %dma_wait3A_87 : memref<1x1664xi32, #tpu.memory_space<vmem>> -> memref<1664xi32, #tpu.memory_space<vmem>>
    %dma_wait3A_89 = arith.constant 0 : i32
    %dma_wait3A_90 = arith.constant 0 : i32
    %dma_wait3A_91 = tpu.memref_slice %arg2[%dma_wait3A_89, %dma_wait3A_90] : memref<10240x16xf32, #tpu.memory_space<hbm>> -> memref<10240x16xf32, #tpu.memory_space<hbm>>
    tpu.wait_indirect_dma semaphore(%arg12 : memref<!tpu.dma_semaphore, #tpu.memory_space<semaphore_mem>>) src(%dma_wait3A_91 : memref<10240x16xf32, #tpu.memory_space<hbm>>) dst(%dma_wait3A_85 : memref<1664x16xf32, #tpu.memory_space<vmem>>)
    %dma_start3A_92 = arith.constant 0 : i32
    %dma_start3A_93 = arith.constant 0 : i32
    %dma_start3A_94 = arith.constant 0 : i32
    %dma_start3A_95 = arith.constant 0 : i32
    %dma_start3A_96 = tpu.memref_slice %arg9[%dma_start3A_92, %dma_start3A_94, %dma_start3A_95] : memref<3x1664x16xf32, #tpu.memory_space<vmem>> -> memref<1x1664x16xf32, #tpu.memory_space<vmem>>
    %dma_start3A_97 = tpu.memref_squeeze %dma_start3A_96 : memref<1x1664x16xf32, #tpu.memory_space<vmem>> -> memref<1664x16xf32, #tpu.memory_space<vmem>>
    %dma_start3A_98 = arith.constant 0 : i32
    %dma_start3A_99 = tpu.memref_slice %arg7[%dma_start3A_93, %dma_start3A_98] : memref<6x1664xi32, #tpu.memory_space<vmem>> -> memref<1x1664xi32, #tpu.memory_space<vmem>>
    %dma_start3A_100 = tpu.memref_squeeze %dma_start3A_99 : memref<1x1664xi32, #tpu.memory_space<vmem>> -> memref<1664xi32, #tpu.memory_space<vmem>>
    %dma_start3A_101 = arith.constant 0 : i32
    %dma_start3A_102 = arith.constant 0 : i32
    %dma_start3A_103 = tpu.memref_slice %arg11[%dma_start3A_101, %dma_start3A_102] : memref<10240x16xf32, #tpu.memory_space<vmem_shared>> -> memref<10240x16xf32, #tpu.memory_space<vmem_shared>>
    tpu.enqueue_indirect_dma source(%dma_start3A_97 : memref<1664x16xf32, #tpu.memory_space<vmem>>) target(%dma_start3A_103 : memref<10240x16xf32, #tpu.memory_space<vmem_shared>>) offsets(%dma_start3A_100 : memref<1664xi32, #tpu.memory_space<vmem>>) semaphore(%arg15 : memref<!tpu.dma_semaphore, #tpu.memory_space<semaphore_mem>>) {add = true}
    %dma_wait3A_104 = arith.constant 0 : i32
    %dma_wait3A_105 = arith.constant 0 : i32
    %dma_wait3A_106 = arith.constant 0 : i32
    %dma_wait3A_107 = arith.constant 0 : i32
    %dma_wait3A_108 = tpu.memref_slice %arg9[%dma_wait3A_104, %dma_wait3A_106, %dma_wait3A_107] : memref<3x1664x16xf32, #tpu.memory_space<vmem>> -> memref<1x1664x16xf32, #tpu.memory_space<vmem>>
    %dma_wait3A_109 = tpu.memref_squeeze %dma_wait3A_108 : memref<1x1664x16xf32, #tpu.memory_space<vmem>> -> memref<1664x16xf32, #tpu.memory_space<vmem>>
    %dma_wait3A_110 = arith.constant 0 : i32
    %dma_wait3A_111 = tpu.memref_slice %arg7[%dma_wait3A_105, %dma_wait3A_110] : memref<6x1664xi32, #tpu.memory_space<vmem>> -> memref<1x1664xi32, #tpu.memory_space<vmem>>
    %dma_wait3A_112 = tpu.memref_squeeze %dma_wait3A_111 : memref<1x1664xi32, #tpu.memory_space<vmem>> -> memref<1664xi32, #tpu.memory_space<vmem>>
    %dma_wait3A_113 = arith.constant 0 : i32
    %dma_wait3A_114 = arith.constant 0 : i32
    %dma_wait3A_115 = tpu.memref_slice %arg11[%dma_wait3A_113, %dma_wait3A_114] : memref<10240x16xf32, #tpu.memory_space<vmem_shared>> -> memref<10240x16xf32, #tpu.memory_space<vmem_shared>>
    tpu.wait_indirect_dma semaphore(%arg15 : memref<!tpu.dma_semaphore, #tpu.memory_space<semaphore_mem>>) src(%dma_wait3A_109 : memref<1664x16xf32, #tpu.memory_space<vmem>>) dst(%dma_wait3A_115 : memref<10240x16xf32, #tpu.memory_space<vmem_shared>>)
    %dma_start3A_116 = arith.constant 3 : i32
    %dma_start3A_117 = arith.constant 0 : i32
    %dma_start3A_118 = arith.constant 0 : i32
    %dma_start3A_119 = arith.constant 0 : i32
    %dma_start3A_120 = tpu.memref_slice %arg9[%dma_start3A_117, %dma_start3A_118, %dma_start3A_119] : memref<3x1664x16xf32, #tpu.memory_space<vmem>> -> memref<1x1664x16xf32, #tpu.memory_space<vmem>>
    %dma_start3A_121 = tpu.memref_squeeze %dma_start3A_120 : memref<1x1664x16xf32, #tpu.memory_space<vmem>> -> memref<1664x16xf32, #tpu.memory_space<vmem>>
    %dma_start3A_122 = arith.constant 0 : i32
    %dma_start3A_123 = tpu.memref_slice %arg6[%dma_start3A_116, %dma_start3A_122] : memref<6x1664xi32, #tpu.memory_space<vmem>> -> memref<1x1664xi32, #tpu.memory_space<vmem>>
    %dma_start3A_124 = tpu.memref_squeeze %dma_start3A_123 : memref<1x1664xi32, #tpu.memory_space<vmem>> -> memref<1664xi32, #tpu.memory_space<vmem>>
    %dma_start3A_125 = arith.constant 0 : i32
    %dma_start3A_126 = arith.constant 0 : i32
    %dma_start3A_127 = tpu.memref_slice %arg2[%dma_start3A_125, %dma_start3A_126] : memref<10240x16xf32, #tpu.memory_space<hbm>> -> memref<10240x16xf32, #tpu.memory_space<hbm>>
    tpu.enqueue_indirect_dma source(%dma_start3A_127 : memref<10240x16xf32, #tpu.memory_space<hbm>>) target(%dma_start3A_121 : memref<1664x16xf32, #tpu.memory_space<vmem>>) offsets(%dma_start3A_124 : memref<1664xi32, #tpu.memory_space<vmem>>) semaphore(%arg12 : memref<!tpu.dma_semaphore, #tpu.memory_space<semaphore_mem>>)
    %dma_wait3A_128 = arith.constant 0 : i32
    %dma_wait3A_129 = arith.constant 1 : i32
    %dma_wait3A_130 = arith.constant 0 : i32
    %dma_wait3A_131 = arith.constant 0 : i32
    %dma_wait3A_132 = tpu.memref_slice %arg9[%dma_wait3A_129, %dma_wait3A_130, %dma_wait3A_131] : memref<3x1664x16xf32, #tpu.memory_space<vmem>> -> memref<1x1664x16xf32, #tpu.memory_space<vmem>>
    %dma_wait3A_133 = tpu.memref_squeeze %dma_wait3A_132 : memref<1x1664x16xf32, #tpu.memory_space<vmem>> -> memref<1664x16xf32, #tpu.memory_space<vmem>>
    %dma_wait3A_134 = arith.constant 0 : i32
    %dma_wait3A_135 = tpu.memref_slice %arg6[%dma_wait3A_128, %dma_wait3A_134] : memref<6x1664xi32, #tpu.memory_space<vmem>> -> memref<1x1664xi32, #tpu.memory_space<vmem>>
    %dma_wait3A_136 = tpu.memref_squeeze %dma_wait3A_135 : memref<1x1664xi32, #tpu.memory_space<vmem>> -> memref<1664xi32, #tpu.memory_space<vmem>>
    %dma_wait3A_137 = arith.constant 0 : i32
    %dma_wait3A_138 = arith.constant 0 : i32
    %dma_wait3A_139 = tpu.memref_slice %arg2[%dma_wait3A_137, %dma_wait3A_138] : memref<10240x16xf32, #tpu.memory_space<hbm>> -> memref<10240x16xf32, #tpu.memory_space<hbm>>
    tpu.wait_indirect_dma semaphore(%arg13 : memref<!tpu.dma_semaphore, #tpu.memory_space<semaphore_mem>>) src(%dma_wait3A_139 : memref<10240x16xf32, #tpu.memory_space<hbm>>) dst(%dma_wait3A_133 : memref<1664x16xf32, #tpu.memory_space<vmem>>)
    %dma_start3A_140 = arith.constant 1 : i32
    %dma_start3A_141 = arith.constant 1 : i32
    %dma_start3A_142 = arith.constant 0 : i32
    %dma_start3A_143 = arith.constant 0 : i32
    %dma_start3A_144 = tpu.memref_slice %arg9[%dma_start3A_140, %dma_start3A_142, %dma_start3A_143] : memref<3x1664x16xf32, #tpu.memory_space<vmem>> -> memref<1x1664x16xf32, #tpu.memory_space<vmem>>
    %dma_start3A_145 = tpu.memref_squeeze %dma_start3A_144 : memref<1x1664x16xf32, #tpu.memory_space<vmem>> -> memref<1664x16xf32, #tpu.memory_space<vmem>>
    %dma_start3A_146 = arith.constant 0 : i32
    %dma_start3A_147 = tpu.memref_slice %arg7[%dma_start3A_141, %dma_start3A_146] : memref<6x1664xi32, #tpu.memory_space<vmem>> -> memref<1x1664xi32, #tpu.memory_space<vmem>>
    %dma_start3A_148 = tpu.memref_squeeze %dma_start3A_147 : memref<1x1664xi32, #tpu.memory_space<vmem>> -> memref<1664xi32, #tpu.memory_space<vmem>>
    %dma_start3A_149 = arith.constant 0 : i32
    %dma_start3A_150 = arith.constant 0 : i32
    %dma_start3A_151 = tpu.memref_slice %arg11[%dma_start3A_149, %dma_start3A_150] : memref<10240x16xf32, #tpu.memory_space<vmem_shared>> -> memref<10240x16xf32, #tpu.memory_space<vmem_shared>>
    tpu.enqueue_indirect_dma source(%dma_start3A_145 : memref<1664x16xf32, #tpu.memory_space<vmem>>) target(%dma_start3A_151 : memref<10240x16xf32, #tpu.memory_space<vmem_shared>>) offsets(%dma_start3A_148 : memref<1664xi32, #tpu.memory_space<vmem>>) semaphore(%arg16 : memref<!tpu.dma_semaphore, #tpu.memory_space<semaphore_mem>>) {add = true}
    %dma_wait3A_152 = arith.constant 1 : i32
    %dma_wait3A_153 = arith.constant 0 : i32
    %dma_wait3A_154 = arith.constant 0 : i32
    %dma_wait3A_155 = arith.constant 0 : i32
    %dma_wait3A_156 = tpu.memref_slice %arg9[%dma_wait3A_152, %dma_wait3A_154, %dma_wait3A_155] : memref<3x1664x16xf32, #tpu.memory_space<vmem>> -> memref<1x1664x16xf32, #tpu.memory_space<vmem>>
    %dma_wait3A_157 = tpu.memref_squeeze %dma_wait3A_156 : memref<1x1664x16xf32, #tpu.memory_space<vmem>> -> memref<1664x16xf32, #tpu.memory_space<vmem>>
    %dma_wait3A_158 = arith.constant 0 : i32
    %dma_wait3A_159 = tpu.memref_slice %arg7[%dma_wait3A_153, %dma_wait3A_158] : memref<6x1664xi32, #tpu.memory_space<vmem>> -> memref<1x1664xi32, #tpu.memory_space<vmem>>
    %dma_wait3A_160 = tpu.memref_squeeze %dma_wait3A_159 : memref<1x1664xi32, #tpu.memory_space<vmem>> -> memref<1664xi32, #tpu.memory_space<vmem>>
    %dma_wait3A_161 = arith.constant 0 : i32
    %dma_wait3A_162 = arith.constant 0 : i32
    %dma_wait3A_163 = tpu.memref_slice %arg11[%dma_wait3A_161, %dma_wait3A_162] : memref<10240x16xf32, #tpu.memory_space<vmem_shared>> -> memref<10240x16xf32, #tpu.memory_space<vmem_shared>>
    tpu.wait_indirect_dma semaphore(%arg16 : memref<!tpu.dma_semaphore, #tpu.memory_space<semaphore_mem>>) src(%dma_wait3A_157 : memref<1664x16xf32, #tpu.memory_space<vmem>>) dst(%dma_wait3A_163 : memref<10240x16xf32, #tpu.memory_space<vmem_shared>>)
    %dma_start3A_164 = arith.constant 4 : i32
    %dma_start3A_165 = arith.constant 1 : i32
    %dma_start3A_166 = arith.constant 0 : i32
    %dma_start3A_167 = arith.constant 0 : i32
    %dma_start3A_168 = tpu.memref_slice %arg9[%dma_start3A_165, %dma_start3A_166, %dma_start3A_167] : memref<3x1664x16xf32, #tpu.memory_space<vmem>> -> memref<1x1664x16xf32, #tpu.memory_space<vmem>>
    %dma_start3A_169 = tpu.memref_squeeze %dma_start3A_168 : memref<1x1664x16xf32, #tpu.memory_space<vmem>> -> memref<1664x16xf32, #tpu.memory_space<vmem>>
    %dma_start3A_170 = arith.constant 0 : i32
    %dma_start3A_171 = tpu.memref_slice %arg6[%dma_start3A_164, %dma_start3A_170] : memref<6x1664xi32, #tpu.memory_space<vmem>> -> memref<1x1664xi32, #tpu.memory_space<vmem>>
    %dma_start3A_172 = tpu.memref_squeeze %dma_start3A_171 : memref<1x1664xi32, #tpu.memory_space<vmem>> -> memref<1664xi32, #tpu.memory_space<vmem>>
    %dma_start3A_173 = arith.constant 0 : i32
    %dma_start3A_174 = arith.constant 0 : i32
    %dma_start3A_175 = tpu.memref_slice %arg2[%dma_start3A_173, %dma_start3A_174] : memref<10240x16xf32, #tpu.memory_space<hbm>> -> memref<10240x16xf32, #tpu.memory_space<hbm>>
    tpu.enqueue_indirect_dma source(%dma_start3A_175 : memref<10240x16xf32, #tpu.memory_space<hbm>>) target(%dma_start3A_169 : memref<1664x16xf32, #tpu.memory_space<vmem>>) offsets(%dma_start3A_172 : memref<1664xi32, #tpu.memory_space<vmem>>) semaphore(%arg13 : memref<!tpu.dma_semaphore, #tpu.memory_space<semaphore_mem>>)
    %dma_wait3A_176 = arith.constant 0 : i32
    %dma_wait3A_177 = arith.constant 2 : i32
    %dma_wait3A_178 = arith.constant 0 : i32
    %dma_wait3A_179 = arith.constant 0 : i32
    %dma_wait3A_180 = tpu.memref_slice %arg9[%dma_wait3A_177, %dma_wait3A_178, %dma_wait3A_179] : memref<3x1664x16xf32, #tpu.memory_space<vmem>> -> memref<1x1664x16xf32, #tpu.memory_space<vmem>>
    %dma_wait3A_181 = tpu.memref_squeeze %dma_wait3A_180 : memref<1x1664x16xf32, #tpu.memory_space<vmem>> -> memref<1664x16xf32, #tpu.memory_space<vmem>>
    %dma_wait3A_182 = arith.constant 0 : i32
    %dma_wait3A_183 = tpu.memref_slice %arg6[%dma_wait3A_176, %dma_wait3A_182] : memref<6x1664xi32, #tpu.memory_space<vmem>> -> memref<1x1664xi32, #tpu.memory_space<vmem>>
    %dma_wait3A_184 = tpu.memref_squeeze %dma_wait3A_183 : memref<1x1664xi32, #tpu.memory_space<vmem>> -> memref<1664xi32, #tpu.memory_space<vmem>>
    %dma_wait3A_185 = arith.constant 0 : i32
    %dma_wait3A_186 = arith.constant 0 : i32
    %dma_wait3A_187 = tpu.memref_slice %arg2[%dma_wait3A_185, %dma_wait3A_186] : memref<10240x16xf32, #tpu.memory_space<hbm>> -> memref<10240x16xf32, #tpu.memory_space<hbm>>
    tpu.wait_indirect_dma semaphore(%arg14 : memref<!tpu.dma_semaphore, #tpu.memory_space<semaphore_mem>>) src(%dma_wait3A_187 : memref<10240x16xf32, #tpu.memory_space<hbm>>) dst(%dma_wait3A_181 : memref<1664x16xf32, #tpu.memory_space<vmem>>)
    %dma_start3A_188 = arith.constant 2 : i32
    %dma_start3A_189 = arith.constant 2 : i32
    %dma_start3A_190 = arith.constant 0 : i32
    %dma_start3A_191 = arith.constant 0 : i32
    %dma_start3A_192 = tpu.memref_slice %arg9[%dma_start3A_188, %dma_start3A_190, %dma_start3A_191] : memref<3x1664x16xf32, #tpu.memory_space<vmem>> -> memref<1x1664x16xf32, #tpu.memory_space<vmem>>
    %dma_start3A_193 = tpu.memref_squeeze %dma_start3A_192 : memref<1x1664x16xf32, #tpu.memory_space<vmem>> -> memref<1664x16xf32, #tpu.memory_space<vmem>>
    %dma_start3A_194 = arith.constant 0 : i32
    %dma_start3A_195 = tpu.memref_slice %arg7[%dma_start3A_189, %dma_start3A_194] : memref<6x1664xi32, #tpu.memory_space<vmem>> -> memref<1x1664xi32, #tpu.memory_space<vmem>>
    %dma_start3A_196 = tpu.memref_squeeze %dma_start3A_195 : memref<1x1664xi32, #tpu.memory_space<vmem>> -> memref<1664xi32, #tpu.memory_space<vmem>>
    %dma_start3A_197 = arith.constant 0 : i32
    %dma_start3A_198 = arith.constant 0 : i32
    %dma_start3A_199 = tpu.memref_slice %arg11[%dma_start3A_197, %dma_start3A_198] : memref<10240x16xf32, #tpu.memory_space<vmem_shared>> -> memref<10240x16xf32, #tpu.memory_space<vmem_shared>>
    tpu.enqueue_indirect_dma source(%dma_start3A_193 : memref<1664x16xf32, #tpu.memory_space<vmem>>) target(%dma_start3A_199 : memref<10240x16xf32, #tpu.memory_space<vmem_shared>>) offsets(%dma_start3A_196 : memref<1664xi32, #tpu.memory_space<vmem>>) semaphore(%arg17 : memref<!tpu.dma_semaphore, #tpu.memory_space<semaphore_mem>>) {add = true}
    %dma_wait3A_200 = arith.constant 2 : i32
    %dma_wait3A_201 = arith.constant 0 : i32
    %dma_wait3A_202 = arith.constant 0 : i32
    %dma_wait3A_203 = arith.constant 0 : i32
    %dma_wait3A_204 = tpu.memref_slice %arg9[%dma_wait3A_200, %dma_wait3A_202, %dma_wait3A_203] : memref<3x1664x16xf32, #tpu.memory_space<vmem>> -> memref<1x1664x16xf32, #tpu.memory_space<vmem>>
    %dma_wait3A_205 = tpu.memref_squeeze %dma_wait3A_204 : memref<1x1664x16xf32, #tpu.memory_space<vmem>> -> memref<1664x16xf32, #tpu.memory_space<vmem>>
    %dma_wait3A_206 = arith.constant 0 : i32
    %dma_wait3A_207 = tpu.memref_slice %arg7[%dma_wait3A_201, %dma_wait3A_206] : memref<6x1664xi32, #tpu.memory_space<vmem>> -> memref<1x1664xi32, #tpu.memory_space<vmem>>
    %dma_wait3A_208 = tpu.memref_squeeze %dma_wait3A_207 : memref<1x1664xi32, #tpu.memory_space<vmem>> -> memref<1664xi32, #tpu.memory_space<vmem>>
    %dma_wait3A_209 = arith.constant 0 : i32
    %dma_wait3A_210 = arith.constant 0 : i32
    %dma_wait3A_211 = tpu.memref_slice %arg11[%dma_wait3A_209, %dma_wait3A_210] : memref<10240x16xf32, #tpu.memory_space<vmem_shared>> -> memref<10240x16xf32, #tpu.memory_space<vmem_shared>>
    tpu.wait_indirect_dma semaphore(%arg17 : memref<!tpu.dma_semaphore, #tpu.memory_space<semaphore_mem>>) src(%dma_wait3A_205 : memref<1664x16xf32, #tpu.memory_space<vmem>>) dst(%dma_wait3A_211 : memref<10240x16xf32, #tpu.memory_space<vmem_shared>>)
    %dma_start3A_212 = arith.constant 5 : i32
    %dma_start3A_213 = arith.constant 2 : i32
    %dma_start3A_214 = arith.constant 0 : i32
    %dma_start3A_215 = arith.constant 0 : i32
    %dma_start3A_216 = tpu.memref_slice %arg9[%dma_start3A_213, %dma_start3A_214, %dma_start3A_215] : memref<3x1664x16xf32, #tpu.memory_space<vmem>> -> memref<1x1664x16xf32, #tpu.memory_space<vmem>>
    %dma_start3A_217 = tpu.memref_squeeze %dma_start3A_216 : memref<1x1664x16xf32, #tpu.memory_space<vmem>> -> memref<1664x16xf32, #tpu.memory_space<vmem>>
    %dma_start3A_218 = arith.constant 0 : i32
    %dma_start3A_219 = tpu.memref_slice %arg6[%dma_start3A_212, %dma_start3A_218] : memref<6x1664xi32, #tpu.memory_space<vmem>> -> memref<1x1664xi32, #tpu.memory_space<vmem>>
    %dma_start3A_220 = tpu.memref_squeeze %dma_start3A_219 : memref<1x1664xi32, #tpu.memory_space<vmem>> -> memref<1664xi32, #tpu.memory_space<vmem>>
    %dma_start3A_221 = arith.constant 0 : i32
    %dma_start3A_222 = arith.constant 0 : i32
    %dma_start3A_223 = tpu.memref_slice %arg2[%dma_start3A_221, %dma_start3A_222] : memref<10240x16xf32, #tpu.memory_space<hbm>> -> memref<10240x16xf32, #tpu.memory_space<hbm>>
    tpu.enqueue_indirect_dma source(%dma_start3A_223 : memref<10240x16xf32, #tpu.memory_space<hbm>>) target(%dma_start3A_217 : memref<1664x16xf32, #tpu.memory_space<vmem>>) offsets(%dma_start3A_220 : memref<1664xi32, #tpu.memory_space<vmem>>) semaphore(%arg14 : memref<!tpu.dma_semaphore, #tpu.memory_space<semaphore_mem>>)
    %dma_wait3A_224 = arith.constant 0 : i32
    %dma_wait3A_225 = arith.constant 0 : i32
    %dma_wait3A_226 = arith.constant 0 : i32
    %dma_wait3A_227 = arith.constant 0 : i32
    %dma_wait3A_228 = tpu.memref_slice %arg9[%dma_wait3A_225, %dma_wait3A_226, %dma_wait3A_227] : memref<3x1664x16xf32, #tpu.memory_space<vmem>> -> memref<1x1664x16xf32, #tpu.memory_space<vmem>>
    %dma_wait3A_229 = tpu.memref_squeeze %dma_wait3A_228 : memref<1x1664x16xf32, #tpu.memory_space<vmem>> -> memref<1664x16xf32, #tpu.memory_space<vmem>>
    %dma_wait3A_230 = arith.constant 0 : i32
    %dma_wait3A_231 = tpu.memref_slice %arg6[%dma_wait3A_224, %dma_wait3A_230] : memref<6x1664xi32, #tpu.memory_space<vmem>> -> memref<1x1664xi32, #tpu.memory_space<vmem>>
    %dma_wait3A_232 = tpu.memref_squeeze %dma_wait3A_231 : memref<1x1664xi32, #tpu.memory_space<vmem>> -> memref<1664xi32, #tpu.memory_space<vmem>>
    %dma_wait3A_233 = arith.constant 0 : i32
    %dma_wait3A_234 = arith.constant 0 : i32
    %dma_wait3A_235 = tpu.memref_slice %arg2[%dma_wait3A_233, %dma_wait3A_234] : memref<10240x16xf32, #tpu.memory_space<hbm>> -> memref<10240x16xf32, #tpu.memory_space<hbm>>
    tpu.wait_indirect_dma semaphore(%arg12 : memref<!tpu.dma_semaphore, #tpu.memory_space<semaphore_mem>>) src(%dma_wait3A_235 : memref<10240x16xf32, #tpu.memory_space<hbm>>) dst(%dma_wait3A_229 : memref<1664x16xf32, #tpu.memory_space<vmem>>)
    %dma_start3A_236 = arith.constant 0 : i32
    %dma_start3A_237 = arith.constant 3 : i32
    %dma_start3A_238 = arith.constant 0 : i32
    %dma_start3A_239 = arith.constant 0 : i32
    %dma_start3A_240 = tpu.memref_slice %arg9[%dma_start3A_236, %dma_start3A_238, %dma_start3A_239] : memref<3x1664x16xf32, #tpu.memory_space<vmem>> -> memref<1x1664x16xf32, #tpu.memory_space<vmem>>
    %dma_start3A_241 = tpu.memref_squeeze %dma_start3A_240 : memref<1x1664x16xf32, #tpu.memory_space<vmem>> -> memref<1664x16xf32, #tpu.memory_space<vmem>>
    %dma_start3A_242 = arith.constant 0 : i32
    %dma_start3A_243 = tpu.memref_slice %arg7[%dma_start3A_237, %dma_start3A_242] : memref<6x1664xi32, #tpu.memory_space<vmem>> -> memref<1x1664xi32, #tpu.memory_space<vmem>>
    %dma_start3A_244 = tpu.memref_squeeze %dma_start3A_243 : memref<1x1664xi32, #tpu.memory_space<vmem>> -> memref<1664xi32, #tpu.memory_space<vmem>>
    %dma_start3A_245 = arith.constant 0 : i32
    %dma_start3A_246 = arith.constant 0 : i32
    %dma_start3A_247 = tpu.memref_slice %arg11[%dma_start3A_245, %dma_start3A_246] : memref<10240x16xf32, #tpu.memory_space<vmem_shared>> -> memref<10240x16xf32, #tpu.memory_space<vmem_shared>>
    tpu.enqueue_indirect_dma source(%dma_start3A_241 : memref<1664x16xf32, #tpu.memory_space<vmem>>) target(%dma_start3A_247 : memref<10240x16xf32, #tpu.memory_space<vmem_shared>>) offsets(%dma_start3A_244 : memref<1664xi32, #tpu.memory_space<vmem>>) semaphore(%arg15 : memref<!tpu.dma_semaphore, #tpu.memory_space<semaphore_mem>>) {add = true}
    %dma_wait3A_248 = arith.constant 0 : i32
    %dma_wait3A_249 = arith.constant 1 : i32
    %dma_wait3A_250 = arith.constant 0 : i32
    %dma_wait3A_251 = arith.constant 0 : i32
    %dma_wait3A_252 = tpu.memref_slice %arg9[%dma_wait3A_249, %dma_wait3A_250, %dma_wait3A_251] : memref<3x1664x16xf32, #tpu.memory_space<vmem>> -> memref<1x1664x16xf32, #tpu.memory_space<vmem>>
    %dma_wait3A_253 = tpu.memref_squeeze %dma_wait3A_252 : memref<1x1664x16xf32, #tpu.memory_space<vmem>> -> memref<1664x16xf32, #tpu.memory_space<vmem>>
    %dma_wait3A_254 = arith.constant 0 : i32
    %dma_wait3A_255 = tpu.memref_slice %arg6[%dma_wait3A_248, %dma_wait3A_254] : memref<6x1664xi32, #tpu.memory_space<vmem>> -> memref<1x1664xi32, #tpu.memory_space<vmem>>
    %dma_wait3A_256 = tpu.memref_squeeze %dma_wait3A_255 : memref<1x1664xi32, #tpu.memory_space<vmem>> -> memref<1664xi32, #tpu.memory_space<vmem>>
    %dma_wait3A_257 = arith.constant 0 : i32
    %dma_wait3A_258 = arith.constant 0 : i32
    %dma_wait3A_259 = tpu.memref_slice %arg2[%dma_wait3A_257, %dma_wait3A_258] : memref<10240x16xf32, #tpu.memory_space<hbm>> -> memref<10240x16xf32, #tpu.memory_space<hbm>>
    tpu.wait_indirect_dma semaphore(%arg13 : memref<!tpu.dma_semaphore, #tpu.memory_space<semaphore_mem>>) src(%dma_wait3A_259 : memref<10240x16xf32, #tpu.memory_space<hbm>>) dst(%dma_wait3A_253 : memref<1664x16xf32, #tpu.memory_space<vmem>>)
    %dma_start3A_260 = arith.constant 1 : i32
    %dma_start3A_261 = arith.constant 4 : i32
    %dma_start3A_262 = arith.constant 0 : i32
    %dma_start3A_263 = arith.constant 0 : i32
    %dma_start3A_264 = tpu.memref_slice %arg9[%dma_start3A_260, %dma_start3A_262, %dma_start3A_263] : memref<3x1664x16xf32, #tpu.memory_space<vmem>> -> memref<1x1664x16xf32, #tpu.memory_space<vmem>>
    %dma_start3A_265 = tpu.memref_squeeze %dma_start3A_264 : memref<1x1664x16xf32, #tpu.memory_space<vmem>> -> memref<1664x16xf32, #tpu.memory_space<vmem>>
    %dma_start3A_266 = arith.constant 0 : i32
    %dma_start3A_267 = tpu.memref_slice %arg7[%dma_start3A_261, %dma_start3A_266] : memref<6x1664xi32, #tpu.memory_space<vmem>> -> memref<1x1664xi32, #tpu.memory_space<vmem>>
    %dma_start3A_268 = tpu.memref_squeeze %dma_start3A_267 : memref<1x1664xi32, #tpu.memory_space<vmem>> -> memref<1664xi32, #tpu.memory_space<vmem>>
    %dma_start3A_269 = arith.constant 0 : i32
    %dma_start3A_270 = arith.constant 0 : i32
    %dma_start3A_271 = tpu.memref_slice %arg11[%dma_start3A_269, %dma_start3A_270] : memref<10240x16xf32, #tpu.memory_space<vmem_shared>> -> memref<10240x16xf32, #tpu.memory_space<vmem_shared>>
    tpu.enqueue_indirect_dma source(%dma_start3A_265 : memref<1664x16xf32, #tpu.memory_space<vmem>>) target(%dma_start3A_271 : memref<10240x16xf32, #tpu.memory_space<vmem_shared>>) offsets(%dma_start3A_268 : memref<1664xi32, #tpu.memory_space<vmem>>) semaphore(%arg16 : memref<!tpu.dma_semaphore, #tpu.memory_space<semaphore_mem>>) {add = true}
    %dma_wait3A_272 = arith.constant 0 : i32
    %dma_wait3A_273 = arith.constant 2 : i32
    %dma_wait3A_274 = arith.constant 0 : i32
    %dma_wait3A_275 = arith.constant 0 : i32
    %dma_wait3A_276 = tpu.memref_slice %arg9[%dma_wait3A_273, %dma_wait3A_274, %dma_wait3A_275] : memref<3x1664x16xf32, #tpu.memory_space<vmem>> -> memref<1x1664x16xf32, #tpu.memory_space<vmem>>
    %dma_wait3A_277 = tpu.memref_squeeze %dma_wait3A_276 : memref<1x1664x16xf32, #tpu.memory_space<vmem>> -> memref<1664x16xf32, #tpu.memory_space<vmem>>
    %dma_wait3A_278 = arith.constant 0 : i32
    %dma_wait3A_279 = tpu.memref_slice %arg6[%dma_wait3A_272, %dma_wait3A_278] : memref<6x1664xi32, #tpu.memory_space<vmem>> -> memref<1x1664xi32, #tpu.memory_space<vmem>>
    %dma_wait3A_280 = tpu.memref_squeeze %dma_wait3A_279 : memref<1x1664xi32, #tpu.memory_space<vmem>> -> memref<1664xi32, #tpu.memory_space<vmem>>
    %dma_wait3A_281 = arith.constant 0 : i32
    %dma_wait3A_282 = arith.constant 0 : i32
    %dma_wait3A_283 = tpu.memref_slice %arg2[%dma_wait3A_281, %dma_wait3A_282] : memref<10240x16xf32, #tpu.memory_space<hbm>> -> memref<10240x16xf32, #tpu.memory_space<hbm>>
    tpu.wait_indirect_dma semaphore(%arg14 : memref<!tpu.dma_semaphore, #tpu.memory_space<semaphore_mem>>) src(%dma_wait3A_283 : memref<10240x16xf32, #tpu.memory_space<hbm>>) dst(%dma_wait3A_277 : memref<1664x16xf32, #tpu.memory_space<vmem>>)
    %dma_start3A_284 = arith.constant 2 : i32
    %dma_start3A_285 = arith.constant 5 : i32
    %dma_start3A_286 = arith.constant 0 : i32
    %dma_start3A_287 = arith.constant 0 : i32
    %dma_start3A_288 = tpu.memref_slice %arg9[%dma_start3A_284, %dma_start3A_286, %dma_start3A_287] : memref<3x1664x16xf32, #tpu.memory_space<vmem>> -> memref<1x1664x16xf32, #tpu.memory_space<vmem>>
    %dma_start3A_289 = tpu.memref_squeeze %dma_start3A_288 : memref<1x1664x16xf32, #tpu.memory_space<vmem>> -> memref<1664x16xf32, #tpu.memory_space<vmem>>
    %dma_start3A_290 = arith.constant 0 : i32
    %dma_start3A_291 = tpu.memref_slice %arg7[%dma_start3A_285, %dma_start3A_290] : memref<6x1664xi32, #tpu.memory_space<vmem>> -> memref<1x1664xi32, #tpu.memory_space<vmem>>
    %dma_start3A_292 = tpu.memref_squeeze %dma_start3A_291 : memref<1x1664xi32, #tpu.memory_space<vmem>> -> memref<1664xi32, #tpu.memory_space<vmem>>
    %dma_start3A_293 = arith.constant 0 : i32
    %dma_start3A_294 = arith.constant 0 : i32
    %dma_start3A_295 = tpu.memref_slice %arg11[%dma_start3A_293, %dma_start3A_294] : memref<10240x16xf32, #tpu.memory_space<vmem_shared>> -> memref<10240x16xf32, #tpu.memory_space<vmem_shared>>
    tpu.enqueue_indirect_dma source(%dma_start3A_289 : memref<1664x16xf32, #tpu.memory_space<vmem>>) target(%dma_start3A_295 : memref<10240x16xf32, #tpu.memory_space<vmem_shared>>) offsets(%dma_start3A_292 : memref<1664xi32, #tpu.memory_space<vmem>>) semaphore(%arg17 : memref<!tpu.dma_semaphore, #tpu.memory_space<semaphore_mem>>) {add = true}
    %dma_wait3A_296 = arith.constant 0 : i32
    %dma_wait3A_297 = arith.constant 0 : i32
    %dma_wait3A_298 = arith.constant 0 : i32
    %dma_wait3A_299 = arith.constant 0 : i32
    %dma_wait3A_300 = tpu.memref_slice %arg9[%dma_wait3A_296, %dma_wait3A_298, %dma_wait3A_299] : memref<3x1664x16xf32, #tpu.memory_space<vmem>> -> memref<1x1664x16xf32, #tpu.memory_space<vmem>>
    %dma_wait3A_301 = tpu.memref_squeeze %dma_wait3A_300 : memref<1x1664x16xf32, #tpu.memory_space<vmem>> -> memref<1664x16xf32, #tpu.memory_space<vmem>>
    %dma_wait3A_302 = arith.constant 0 : i32
    %dma_wait3A_303 = tpu.memref_slice %arg7[%dma_wait3A_297, %dma_wait3A_302] : memref<6x1664xi32, #tpu.memory_space<vmem>> -> memref<1x1664xi32, #tpu.memory_space<vmem>>
    %dma_wait3A_304 = tpu.memref_squeeze %dma_wait3A_303 : memref<1x1664xi32, #tpu.memory_space<vmem>> -> memref<1664xi32, #tpu.memory_space<vmem>>
    %dma_wait3A_305 = arith.constant 0 : i32
    %dma_wait3A_306 = arith.constant 0 : i32
    %dma_wait3A_307 = tpu.memref_slice %arg11[%dma_wait3A_305, %dma_wait3A_306] : memref<10240x16xf32, #tpu.memory_space<vmem_shared>> -> memref<10240x16xf32, #tpu.memory_space<vmem_shared>>
    tpu.wait_indirect_dma semaphore(%arg15 : memref<!tpu.dma_semaphore, #tpu.memory_space<semaphore_mem>>) src(%dma_wait3A_301 : memref<1664x16xf32, #tpu.memory_space<vmem>>) dst(%dma_wait3A_307 : memref<10240x16xf32, #tpu.memory_space<vmem_shared>>)
    %dma_wait3A_308 = arith.constant 1 : i32
    %dma_wait3A_309 = arith.constant 0 : i32
    %dma_wait3A_310 = arith.constant 0 : i32
    %dma_wait3A_311 = arith.constant 0 : i32
    %dma_wait3A_312 = tpu.memref_slice %arg9[%dma_wait3A_308, %dma_wait3A_310, %dma_wait3A_311] : memref<3x1664x16xf32, #tpu.memory_space<vmem>> -> memref<1x1664x16xf32, #tpu.memory_space<vmem>>
    %dma_wait3A_313 = tpu.memref_squeeze %dma_wait3A_312 : memref<1x1664x16xf32, #tpu.memory_space<vmem>> -> memref<1664x16xf32, #tpu.memory_space<vmem>>
    %dma_wait3A_314 = arith.constant 0 : i32
    %dma_wait3A_315 = tpu.memref_slice %arg7[%dma_wait3A_309, %dma_wait3A_314] : memref<6x1664xi32, #tpu.memory_space<vmem>> -> memref<1x1664xi32, #tpu.memory_space<vmem>>
    %dma_wait3A_316 = tpu.memref_squeeze %dma_wait3A_315 : memref<1x1664xi32, #tpu.memory_space<vmem>> -> memref<1664xi32, #tpu.memory_space<vmem>>
    %dma_wait3A_317 = arith.constant 0 : i32
    %dma_wait3A_318 = arith.constant 0 : i32
    %dma_wait3A_319 = tpu.memref_slice %arg11[%dma_wait3A_317, %dma_wait3A_318] : memref<10240x16xf32, #tpu.memory_space<vmem_shared>> -> memref<10240x16xf32, #tpu.memory_space<vmem_shared>>
    tpu.wait_indirect_dma semaphore(%arg16 : memref<!tpu.dma_semaphore, #tpu.memory_space<semaphore_mem>>) src(%dma_wait3A_313 : memref<1664x16xf32, #tpu.memory_space<vmem>>) dst(%dma_wait3A_319 : memref<10240x16xf32, #tpu.memory_space<vmem_shared>>)
    %dma_wait3A_320 = arith.constant 2 : i32
    %dma_wait3A_321 = arith.constant 0 : i32
    %dma_wait3A_322 = arith.constant 0 : i32
    %dma_wait3A_323 = arith.constant 0 : i32
    %dma_wait3A_324 = tpu.memref_slice %arg9[%dma_wait3A_320, %dma_wait3A_322, %dma_wait3A_323] : memref<3x1664x16xf32, #tpu.memory_space<vmem>> -> memref<1x1664x16xf32, #tpu.memory_space<vmem>>
    %dma_wait3A_325 = tpu.memref_squeeze %dma_wait3A_324 : memref<1x1664x16xf32, #tpu.memory_space<vmem>> -> memref<1664x16xf32, #tpu.memory_space<vmem>>
    %dma_wait3A_326 = arith.constant 0 : i32
    %dma_wait3A_327 = tpu.memref_slice %arg7[%dma_wait3A_321, %dma_wait3A_326] : memref<6x1664xi32, #tpu.memory_space<vmem>> -> memref<1x1664xi32, #tpu.memory_space<vmem>>
    %dma_wait3A_328 = tpu.memref_squeeze %dma_wait3A_327 : memref<1x1664xi32, #tpu.memory_space<vmem>> -> memref<1664xi32, #tpu.memory_space<vmem>>
    %dma_wait3A_329 = arith.constant 0 : i32
    %dma_wait3A_330 = arith.constant 0 : i32
    %dma_wait3A_331 = tpu.memref_slice %arg11[%dma_wait3A_329, %dma_wait3A_330] : memref<10240x16xf32, #tpu.memory_space<vmem_shared>> -> memref<10240x16xf32, #tpu.memory_space<vmem_shared>>
    tpu.wait_indirect_dma semaphore(%arg17 : memref<!tpu.dma_semaphore, #tpu.memory_space<semaphore_mem>>) src(%dma_wait3A_325 : memref<1664x16xf32, #tpu.memory_space<vmem>>) dst(%dma_wait3A_331 : memref<10240x16xf32, #tpu.memory_space<vmem_shared>>)
    %lt3A_332 = arith.constant 4 : i32
    %lt3A_333 = arith.cmpi slt, %add3A, %lt3A_332 : i32
    %convert_element_type3A_334 = arith.extui %lt3A_333 : i1 to i32
    %cond3A_335 = arith.constant 0 : i32
    %cond3A_336 = arith.cmpi ne, %convert_element_type3A_334, %cond3A_335 : i32
    scf.if %cond3A_336 {
      %run_scoped3A = arith.constant 0 : i32
      %run_scoped3A_342 = arith.constant 0 : i32
      "tpu.region"() ({
        %run_scoped3A_345 = tpu.sem_alloc : memref<!tpu.dma_semaphore, #tpu.memory_space<semaphore_mem>>
        %dma_start3A_346 = arith.constant 0 : i32
        %dma_start3A_347 = arith.constant 0 : i32
        %dma_start3A_348 = tpu.memref_slice %arg9[%run_scoped3A_342, %dma_start3A_346, %dma_start3A_347] : memref<3x1664x16xf32, #tpu.memory_space<vmem>> -> memref<1x128x16xf32, #tpu.memory_space<vmem>>
        %dma_start3A_349 = tpu.memref_squeeze %dma_start3A_348 : memref<1x128x16xf32, #tpu.memory_space<vmem>> -> memref<128x16xf32, #tpu.memory_space<vmem>>
        %dma_start3A_350 = arith.constant 0 : i32
        %dma_start3A_351 = tpu.memref_slice %arg8[%run_scoped3A, %dma_start3A_350] : memref<2x128xi32, #tpu.memory_space<vmem>> -> memref<1x128xi32, #tpu.memory_space<vmem>>
        %dma_start3A_352 = tpu.memref_squeeze %dma_start3A_351 : memref<1x128xi32, #tpu.memory_space<vmem>> -> memref<128xi32, #tpu.memory_space<vmem>>
        %dma_start3A_353 = arith.constant 0 : i32
        %dma_start3A_354 = arith.constant 0 : i32
        %dma_start3A_355 = tpu.memref_slice %arg2[%dma_start3A_353, %dma_start3A_354] : memref<10240x16xf32, #tpu.memory_space<hbm>> -> memref<10240x16xf32, #tpu.memory_space<hbm>>
        tpu.enqueue_indirect_dma source(%dma_start3A_355 : memref<10240x16xf32, #tpu.memory_space<hbm>>) target(%dma_start3A_349 : memref<128x16xf32, #tpu.memory_space<vmem>>) offsets(%dma_start3A_352 : memref<128xi32, #tpu.memory_space<vmem>>) semaphore(%run_scoped3A_345 : memref<!tpu.dma_semaphore, #tpu.memory_space<semaphore_mem>>)
        %dma_wait3A_356 = arith.constant 0 : i32
        %dma_wait3A_357 = arith.constant 0 : i32
        %dma_wait3A_358 = tpu.memref_slice %arg9[%run_scoped3A_342, %dma_wait3A_356, %dma_wait3A_357] : memref<3x1664x16xf32, #tpu.memory_space<vmem>> -> memref<1x128x16xf32, #tpu.memory_space<vmem>>
        %dma_wait3A_359 = tpu.memref_squeeze %dma_wait3A_358 : memref<1x128x16xf32, #tpu.memory_space<vmem>> -> memref<128x16xf32, #tpu.memory_space<vmem>>
        %dma_wait3A_360 = arith.constant 0 : i32
        %dma_wait3A_361 = tpu.memref_slice %arg8[%run_scoped3A, %dma_wait3A_360] : memref<2x128xi32, #tpu.memory_space<vmem>> -> memref<1x128xi32, #tpu.memory_space<vmem>>
        %dma_wait3A_362 = tpu.memref_squeeze %dma_wait3A_361 : memref<1x128xi32, #tpu.memory_space<vmem>> -> memref<128xi32, #tpu.memory_space<vmem>>
        %dma_wait3A_363 = arith.constant 0 : i32
        %dma_wait3A_364 = arith.constant 0 : i32
        %dma_wait3A_365 = tpu.memref_slice %arg2[%dma_wait3A_363, %dma_wait3A_364] : memref<10240x16xf32, #tpu.memory_space<hbm>> -> memref<10240x16xf32, #tpu.memory_space<hbm>>
        tpu.wait_indirect_dma semaphore(%run_scoped3A_345 : memref<!tpu.dma_semaphore, #tpu.memory_space<semaphore_mem>>) src(%dma_wait3A_365 : memref<10240x16xf32, #tpu.memory_space<hbm>>) dst(%dma_wait3A_359 : memref<128x16xf32, #tpu.memory_space<vmem>>)
        tpu.yield
      }) : () -> ()
      %run_scoped3A_343 = arith.constant 0 : i32
      %run_scoped3A_344 = arith.constant 1 : i32
      "tpu.region"() ({
        %run_scoped3A_345 = tpu.sem_alloc : memref<!tpu.dma_semaphore, #tpu.memory_space<semaphore_mem>>
        %dma_start3A_346 = arith.constant 0 : i32
        %dma_start3A_347 = arith.constant 0 : i32
        %dma_start3A_348 = tpu.memref_slice %arg9[%run_scoped3A_343, %dma_start3A_346, %dma_start3A_347] : memref<3x1664x16xf32, #tpu.memory_space<vmem>> -> memref<1x128x16xf32, #tpu.memory_space<vmem>>
        %dma_start3A_349 = tpu.memref_squeeze %dma_start3A_348 : memref<1x128x16xf32, #tpu.memory_space<vmem>> -> memref<128x16xf32, #tpu.memory_space<vmem>>
        %dma_start3A_350 = arith.constant 0 : i32
        %dma_start3A_351 = tpu.memref_slice %arg8[%run_scoped3A_344, %dma_start3A_350] : memref<2x128xi32, #tpu.memory_space<vmem>> -> memref<1x128xi32, #tpu.memory_space<vmem>>
        %dma_start3A_352 = tpu.memref_squeeze %dma_start3A_351 : memref<1x128xi32, #tpu.memory_space<vmem>> -> memref<128xi32, #tpu.memory_space<vmem>>
        %dma_start3A_353 = arith.constant 0 : i32
        %dma_start3A_354 = arith.constant 0 : i32
        %dma_start3A_355 = tpu.memref_slice %arg11[%dma_start3A_353, %dma_start3A_354] : memref<10240x16xf32, #tpu.memory_space<vmem_shared>> -> memref<10240x16xf32, #tpu.memory_space<vmem_shared>>
        tpu.enqueue_indirect_dma source(%dma_start3A_349 : memref<128x16xf32, #tpu.memory_space<vmem>>) target(%dma_start3A_355 : memref<10240x16xf32, #tpu.memory_space<vmem_shared>>) offsets(%dma_start3A_352 : memref<128xi32, #tpu.memory_space<vmem>>) semaphore(%run_scoped3A_345 : memref<!tpu.dma_semaphore, #tpu.memory_space<semaphore_mem>>) {add = true}
        %dma_wait3A_356 = arith.constant 0 : i32
        %dma_wait3A_357 = arith.constant 0 : i32
        %dma_wait3A_358 = tpu.memref_slice %arg9[%run_scoped3A_343, %dma_wait3A_356, %dma_wait3A_357] : memref<3x1664x16xf32, #tpu.memory_space<vmem>> -> memref<1x128x16xf32, #tpu.memory_space<vmem>>
        %dma_wait3A_359 = tpu.memref_squeeze %dma_wait3A_358 : memref<1x128x16xf32, #tpu.memory_space<vmem>> -> memref<128x16xf32, #tpu.memory_space<vmem>>
        %dma_wait3A_360 = arith.constant 0 : i32
        %dma_wait3A_361 = tpu.memref_slice %arg8[%run_scoped3A_344, %dma_wait3A_360] : memref<2x128xi32, #tpu.memory_space<vmem>> -> memref<1x128xi32, #tpu.memory_space<vmem>>
        %dma_wait3A_362 = tpu.memref_squeeze %dma_wait3A_361 : memref<1x128xi32, #tpu.memory_space<vmem>> -> memref<128xi32, #tpu.memory_space<vmem>>
        %dma_wait3A_363 = arith.constant 0 : i32
        %dma_wait3A_364 = arith.constant 0 : i32
        %dma_wait3A_365 = tpu.memref_slice %arg11[%dma_wait3A_363, %dma_wait3A_364] : memref<10240x16xf32, #tpu.memory_space<vmem_shared>> -> memref<10240x16xf32, #tpu.memory_space<vmem_shared>>
        tpu.wait_indirect_dma semaphore(%run_scoped3A_345 : memref<!tpu.dma_semaphore, #tpu.memory_space<semaphore_mem>>) src(%dma_wait3A_359 : memref<128x16xf32, #tpu.memory_space<vmem>>) dst(%dma_wait3A_365 : memref<10240x16xf32, #tpu.memory_space<vmem_shared>>)
        tpu.yield
      }) : () -> ()
    } else {
    }
    %barrier3A_337 = arith.constant 0 : index
    tpu.barrier barrier_id(%barrier3A_337)
    %mul3A_338 = arith.constant 640 : i32
    %mul3A_339 = arith.muli %arg1, %mul3A_338 : i32
    %mul3A_340 = arith.constant 640 : i32
    %mul3A_341 = arith.muli %arg1, %mul3A_340 : i32
    "tpu.region"() ({
      %run_scoped3A = tpu.sem_alloc : memref<!tpu.dma_semaphore, #tpu.memory_space<semaphore_mem>>
      %dma_start3A_342 = arith.constant 0 : i32
      %dma_start3A_343 = tpu.memref_slice %arg5[%arg0, %mul3A_341, %dma_start3A_342] : memref<2x10240x16xf32, #tpu.memory_space<hbm>> -> memref<1x640x16xf32, #tpu.memory_space<hbm>>
      %dma_start3A_344 = tpu.memref_squeeze %dma_start3A_343 : memref<1x640x16xf32, #tpu.memory_space<hbm>> -> memref<640x16xf32, #tpu.memory_space<hbm>>
      %dma_start3A_345 = arith.constant 0 : i32
      %dma_start3A_346 = tpu.memref_slice %arg11[%mul3A_339, %dma_start3A_345] : memref<10240x16xf32, #tpu.memory_space<vmem_shared>> -> memref<640x16xf32, #tpu.memory_space<vmem_shared>>
      tpu.enqueue_dma source(%dma_start3A_346 : memref<640x16xf32, #tpu.memory_space<vmem_shared>>) target(%dma_start3A_344 : memref<640x16xf32, #tpu.memory_space<hbm>>) target_semaphore(%run_scoped3A : memref<!tpu.dma_semaphore, #tpu.memory_space<semaphore_mem>>)
      %dma_wait3A_347 = arith.constant 0 : i32
      %dma_wait3A_348 = tpu.memref_slice %arg5[%arg0, %mul3A_341, %dma_wait3A_347] : memref<2x10240x16xf32, #tpu.memory_space<hbm>> -> memref<1x640x16xf32, #tpu.memory_space<hbm>>
      %dma_wait3A_349 = tpu.memref_squeeze %dma_wait3A_348 : memref<1x640x16xf32, #tpu.memory_space<hbm>> -> memref<640x16xf32, #tpu.memory_space<hbm>>
      %dma_wait3A_350 = arith.constant 0 : i32
      %dma_wait3A_351 = tpu.memref_slice %arg11[%mul3A_339, %dma_wait3A_350] : memref<10240x16xf32, #tpu.memory_space<vmem_shared>> -> memref<640x16xf32, #tpu.memory_space<vmem_shared>>
      tpu.wait_dma2 semaphore(%run_scoped3A : memref<!tpu.dma_semaphore, #tpu.memory_space<semaphore_mem>>) src(%dma_wait3A_351 : memref<640x16xf32, #tpu.memory_space<vmem_shared>>) dst(%dma_wait3A_349 : memref<640x16xf32, #tpu.memory_space<hbm>>)
      tpu.yield
    }) : () -> ()
    return
  }
}

module attributes {stable_mosaic.version = 14 : i64} {
  func.func @body(%arg0: memref<1250x8x128xf32, #tpu.memory_space<vmem>>, %arg1: memref<1024x128xf32, #tpu.memory_space<vmem>>, %arg2: memref<1250x128xf32, #tpu.memory_space<vmem>>) attributes {dimension_semantics = [], scalar_prefetch = 0 : i64, scratch_operands = 0 : i64, tpu.core_type = #tpu.core_type<tc>} {
    %get3A = arith.constant 0 : index
    %get3A_0 = arith.constant 0 : index
    %get3A_1 = arith.constant 0 : index
    %get3A_2 = vector.load %arg0[%get3A, %get3A_0, %get3A_1] : memref<1250x8x128xf32, #tpu.memory_space<vmem>>, vector<1250x1x128xf32>
    %get3A_3 = vector.shape_cast %get3A_2 : vector<1250x1x128xf32> to vector<1250x128xf32>
    %get3A_4 = arith.constant 0 : index
    %get3A_5 = arith.constant 1 : index
    %get3A_6 = arith.constant 0 : index
    %get3A_7 = vector.load %arg0[%get3A_4, %get3A_5, %get3A_6] : memref<1250x8x128xf32, #tpu.memory_space<vmem>>, vector<1250x1x128xf32>
    %get3A_8 = vector.shape_cast %get3A_7 : vector<1250x1x128xf32> to vector<1250x128xf32>
    %get3A_9 = arith.constant 0 : index
    %get3A_10 = arith.constant 2 : index
    %get3A_11 = arith.constant 0 : index
    %get3A_12 = vector.load %arg0[%get3A_9, %get3A_10, %get3A_11] : memref<1250x8x128xf32, #tpu.memory_space<vmem>>, vector<1250x1x128xf32>
    %get3A_13 = vector.shape_cast %get3A_12 : vector<1250x1x128xf32> to vector<1250x128xf32>
    %get3A_14 = arith.constant 0 : index
    %get3A_15 = arith.constant 3 : index
    %get3A_16 = arith.constant 0 : index
    %get3A_17 = vector.load %arg0[%get3A_14, %get3A_15, %get3A_16] : memref<1250x8x128xf32, #tpu.memory_space<vmem>>, vector<1250x1x128xf32>
    %get3A_18 = vector.shape_cast %get3A_17 : vector<1250x1x128xf32> to vector<1250x128xf32>
    %get3A_19 = arith.constant 0 : index
    %get3A_20 = arith.constant 4 : index
    %get3A_21 = arith.constant 0 : index
    %get3A_22 = vector.load %arg0[%get3A_19, %get3A_20, %get3A_21] : memref<1250x8x128xf32, #tpu.memory_space<vmem>>, vector<1250x1x128xf32>
    %get3A_23 = vector.shape_cast %get3A_22 : vector<1250x1x128xf32> to vector<1250x128xf32>
    %get3A_24 = arith.constant 0 : index
    %get3A_25 = arith.constant 5 : index
    %get3A_26 = arith.constant 0 : index
    %get3A_27 = vector.load %arg0[%get3A_24, %get3A_25, %get3A_26] : memref<1250x8x128xf32, #tpu.memory_space<vmem>>, vector<1250x1x128xf32>
    %get3A_28 = vector.shape_cast %get3A_27 : vector<1250x1x128xf32> to vector<1250x128xf32>
    %get3A_29 = arith.constant 0 : index
    %get3A_30 = arith.constant 6 : index
    %get3A_31 = arith.constant 0 : index
    %get3A_32 = vector.load %arg0[%get3A_29, %get3A_30, %get3A_31] : memref<1250x8x128xf32, #tpu.memory_space<vmem>>, vector<1250x1x128xf32>
    %get3A_33 = vector.shape_cast %get3A_32 : vector<1250x1x128xf32> to vector<1250x128xf32>
    %get3A_34 = arith.constant 0 : index
    %get3A_35 = arith.constant 7 : index
    %get3A_36 = arith.constant 0 : index
    %get3A_37 = vector.load %arg0[%get3A_34, %get3A_35, %get3A_36] : memref<1250x8x128xf32, #tpu.memory_space<vmem>>, vector<1250x1x128xf32>
    %get3A_38 = vector.shape_cast %get3A_37 : vector<1250x1x128xf32> to vector<1250x128xf32>
    %concatenate3A = tpu.concatenate %get3A_3, %get3A_8, %get3A_13, %get3A_18, %get3A_23, %get3A_28, %get3A_33, %get3A_38 in 1 : vector<1250x128xf32>, vector<1250x128xf32>, vector<1250x128xf32>, vector<1250x128xf32>, vector<1250x128xf32>, vector<1250x128xf32>, vector<1250x128xf32>, vector<1250x128xf32> -> vector<1250x1024xf32>
    %get3A_39 = arith.constant 0 : index
    %get3A_40 = arith.constant 0 : index
    %get3A_41 = vector.load %arg1[%get3A_39, %get3A_40] : memref<1024x128xf32, #tpu.memory_space<vmem>>, vector<1024x128xf32>
    %dot_general3A = arith.constant dense<0.000000e+00> : vector<1250x128xf32>
    %dot_general3A_42 = tpu.matmul %concatenate3A, %get3A_41, %dot_general3A {dimension_numbers = #tpu.dot_dimension_numbers<[1], [0], [0], [1], [0, 0, 1, 1], [], []>, transpose_lhs_hint = false} : vector<1250x1024xf32>, vector<1024x128xf32>, vector<1250x128xf32> -> vector<1250x128xf32>
    %swap3A = arith.constant 0 : index
    %swap3A_43 = arith.constant 0 : index
    %swap3A_44 = vector.load %arg2[%swap3A, %swap3A_43] : memref<1250x128xf32, #tpu.memory_space<vmem>>, vector<1250x128xf32>
    tpu.vector_store %arg2[%swap3A, %swap3A_43], %dot_general3A_42 {strides = array<i32>} : memref<1250x128xf32, #tpu.memory_space<vmem>>, vector<1250x128xf32>,
    return
  }
}

module attributes {stable_mosaic.version = 14 : i64} {
  func.func @body(%arg0: memref<2x1280x128xf32, #tpu.memory_space<vmem>>, %arg1: memref<1x128xf32, #tpu.memory_space<vmem>>, %arg2: memref<1280x128xf32, #tpu.memory_space<vmem>>) attributes {dimension_semantics = [], scalar_prefetch = 0 : i64, scratch_operands = 0 : i64, tpu.core_type = #tpu.core_type<tc>} {
    %get3A = arith.constant 0 : index
    %get3A_0 = arith.constant 0 : index
    %get3A_1 = arith.constant 0 : index
    %get3A_2 = vector.load %arg0[%get3A, %get3A_0, %get3A_1] : memref<2x1280x128xf32, #tpu.memory_space<vmem>>, vector<1x1280x128xf32>
    %get3A_3 = vector.shape_cast %get3A_2 : vector<1x1280x128xf32> to vector<1280x128xf32>
    %get3A_4 = arith.constant 1 : index
    %get3A_5 = arith.constant 0 : index
    %get3A_6 = arith.constant 0 : index
    %get3A_7 = vector.load %arg0[%get3A_4, %get3A_5, %get3A_6] : memref<2x1280x128xf32, #tpu.memory_space<vmem>>, vector<1x1280x128xf32>
    %get3A_8 = vector.shape_cast %get3A_7 : vector<1x1280x128xf32> to vector<1280x128xf32>
    %add3A = arith.addf %get3A_3, %get3A_8 : vector<1280x128xf32>
    %get3A_9 = arith.constant 0 : index
    %get3A_10 = arith.constant 0 : index
    %get3A_11 = vector.load %arg1[%get3A_9, %get3A_10] : memref<1x128xf32, #tpu.memory_space<vmem>>, vector<1x128xf32>
    %add3A_12 = vector.broadcast %get3A_11 : vector<1x128xf32> to vector<1280x128xf32>
    %add3A_13 = arith.addf %add3A, %add3A_12 : vector<1280x128xf32>
    %max3A = arith.constant 0.000000e+00 : f32
    %max3A_14 = vector.broadcast %max3A : f32 to vector<1280x128xf32>
    %max3A_15 = arith.maximumf %add3A_13, %max3A_14 : vector<1280x128xf32>
    %swap3A = arith.constant 0 : index
    %swap3A_16 = arith.constant 0 : index
    %swap3A_17 = vector.load %arg2[%swap3A, %swap3A_16] : memref<1280x128xf32, #tpu.memory_space<vmem>>, vector<1280x128xf32>
    tpu.vector_store %arg2[%swap3A, %swap3A_16], %max3A_15 {strides = array<i32>} : memref<1280x128xf32, #tpu.memory_space<vmem>>, vector<1280x128xf32>,
    return
  }
}

module attributes {stable_mosaic.version = 14 : i64} {
  func.func @body(%arg0: memref<2x1280x128xf32, #tpu.memory_space<vmem>>, %arg1: memref<128x1024xf32, #tpu.memory_space<vmem>>, %arg2: memref<1x128xf32, #tpu.memory_space<vmem>>, %arg3: memref<1250x8x128xf32, #tpu.memory_space<vmem>>) attributes {dimension_semantics = [], scalar_prefetch = 0 : i64, scratch_operands = 0 : i64, tpu.core_type = #tpu.core_type<tc>} {
    %get3A = arith.constant 0 : index
    %get3A_0 = arith.constant 0 : index
    %get3A_1 = arith.constant 0 : index
    %get3A_2 = vector.load %arg0[%get3A, %get3A_0, %get3A_1] : memref<2x1280x128xf32, #tpu.memory_space<vmem>>, vector<1x1250x128xf32>
    %get3A_3 = vector.shape_cast %get3A_2 : vector<1x1250x128xf32> to vector<1250x128xf32>
    %get3A_4 = arith.constant 1 : index
    %get3A_5 = arith.constant 0 : index
    %get3A_6 = arith.constant 0 : index
    %get3A_7 = vector.load %arg0[%get3A_4, %get3A_5, %get3A_6] : memref<2x1280x128xf32, #tpu.memory_space<vmem>>, vector<1x1250x128xf32>
    %get3A_8 = vector.shape_cast %get3A_7 : vector<1x1250x128xf32> to vector<1250x128xf32>
    %add3A = arith.addf %get3A_3, %get3A_8 : vector<1250x128xf32>
    %get3A_9 = arith.constant 0 : index
    %get3A_10 = arith.constant 0 : index
    %get3A_11 = vector.load %arg1[%get3A_9, %get3A_10] : memref<128x1024xf32, #tpu.memory_space<vmem>>, vector<128x1024xf32>
    %dot_general3A = arith.constant dense<0.000000e+00> : vector<1250x1024xf32>
    %dot_general3A_12 = tpu.matmul %add3A, %get3A_11, %dot_general3A {dimension_numbers = #tpu.dot_dimension_numbers<[1], [0], [0], [1], [0, 0, 1, 1], [], []>, transpose_lhs_hint = false} : vector<1250x128xf32>, vector<128x1024xf32>, vector<1250x1024xf32> -> vector<1250x1024xf32>
    %slice3A = vector.extract_strided_slice %dot_general3A_12 {offsets = [0, 0], sizes = [1250, 128], strides = [1, 1]} : vector<1250x1024xf32> to vector<1250x128xf32>
    %get3A_13 = arith.constant 0 : index
    %get3A_14 = arith.constant 0 : index
    %get3A_15 = vector.load %arg2[%get3A_13, %get3A_14] : memref<1x128xf32, #tpu.memory_space<vmem>>, vector<1x128xf32>
    %add3A_16 = vector.broadcast %get3A_15 : vector<1x128xf32> to vector<1250x128xf32>
    %add3A_17 = arith.addf %slice3A, %add3A_16 : vector<1250x128xf32>
    %swap3A = arith.constant 0 : index
    %swap3A_18 = arith.constant 0 : index
    %swap3A_19 = arith.constant 0 : index
    %swap3A_20 = vector.load %arg3[%swap3A, %swap3A_18, %swap3A_19] : memref<1250x8x128xf32, #tpu.memory_space<vmem>>, vector<1250x1x128xf32>
    %swap3A_21 = vector.shape_cast %swap3A_20 : vector<1250x1x128xf32> to vector<1250x128xf32>
    %swap3A_22 = vector.shape_cast %add3A_17 : vector<1250x128xf32> to vector<1250x1x128xf32>
    tpu.vector_store %arg3[%swap3A, %swap3A_18, %swap3A_19], %swap3A_22 {strides = array<i32>} : memref<1250x8x128xf32, #tpu.memory_space<vmem>>, vector<1250x1x128xf32>,
    %slice3A_23 = vector.extract_strided_slice %dot_general3A_12 {offsets = [0, 128], sizes = [1250, 128], strides = [1, 1]} : vector<1250x1024xf32> to vector<1250x128xf32>
    %get3A_24 = arith.constant 0 : index
    %get3A_25 = arith.constant 0 : index
    %get3A_26 = vector.load %arg2[%get3A_24, %get3A_25] : memref<1x128xf32, #tpu.memory_space<vmem>>, vector<1x128xf32>
    %add3A_27 = vector.broadcast %get3A_26 : vector<1x128xf32> to vector<1250x128xf32>
    %add3A_28 = arith.addf %slice3A_23, %add3A_27 : vector<1250x128xf32>
    %swap3A_29 = arith.constant 0 : index
    %swap3A_30 = arith.constant 1 : index
    %swap3A_31 = arith.constant 0 : index
    %swap3A_32 = vector.load %arg3[%swap3A_29, %swap3A_30, %swap3A_31] : memref<1250x8x128xf32, #tpu.memory_space<vmem>>, vector<1250x1x128xf32>
    %swap3A_33 = vector.shape_cast %swap3A_32 : vector<1250x1x128xf32> to vector<1250x128xf32>
    %swap3A_34 = vector.shape_cast %add3A_28 : vector<1250x128xf32> to vector<1250x1x128xf32>
    tpu.vector_store %arg3[%swap3A_29, %swap3A_30, %swap3A_31], %swap3A_34 {strides = array<i32>} : memref<1250x8x128xf32, #tpu.memory_space<vmem>>, vector<1250x1x128xf32>,
    %slice3A_35 = vector.extract_strided_slice %dot_general3A_12 {offsets = [0, 256], sizes = [1250, 128], strides = [1, 1]} : vector<1250x1024xf32> to vector<1250x128xf32>
    %get3A_36 = arith.constant 0 : index
    %get3A_37 = arith.constant 0 : index
    %get3A_38 = vector.load %arg2[%get3A_36, %get3A_37] : memref<1x128xf32, #tpu.memory_space<vmem>>, vector<1x128xf32>
    %add3A_39 = vector.broadcast %get3A_38 : vector<1x128xf32> to vector<1250x128xf32>
    %add3A_40 = arith.addf %slice3A_35, %add3A_39 : vector<1250x128xf32>
    %swap3A_41 = arith.constant 0 : index
    %swap3A_42 = arith.constant 2 : index
    %swap3A_43 = arith.constant 0 : index
    %swap3A_44 = vector.load %arg3[%swap3A_41, %swap3A_42, %swap3A_43] : memref<1250x8x128xf32, #tpu.memory_space<vmem>>, vector<1250x1x128xf32>
    %swap3A_45 = vector.shape_cast %swap3A_44 : vector<1250x1x128xf32> to vector<1250x128xf32>
    %swap3A_46 = vector.shape_cast %add3A_40 : vector<1250x128xf32> to vector<1250x1x128xf32>
    tpu.vector_store %arg3[%swap3A_41, %swap3A_42, %swap3A_43], %swap3A_46 {strides = array<i32>} : memref<1250x8x128xf32, #tpu.memory_space<vmem>>, vector<1250x1x128xf32>,
    %slice3A_47 = vector.extract_strided_slice %dot_general3A_12 {offsets = [0, 384], sizes = [1250, 128], strides = [1, 1]} : vector<1250x1024xf32> to vector<1250x128xf32>
    %get3A_48 = arith.constant 0 : index
    %get3A_49 = arith.constant 0 : index
    %get3A_50 = vector.load %arg2[%get3A_48, %get3A_49] : memref<1x128xf32, #tpu.memory_space<vmem>>, vector<1x128xf32>
    %add3A_51 = vector.broadcast %get3A_50 : vector<1x128xf32> to vector<1250x128xf32>
    %add3A_52 = arith.addf %slice3A_47, %add3A_51 : vector<1250x128xf32>
    %swap3A_53 = arith.constant 0 : index
    %swap3A_54 = arith.constant 3 : index
    %swap3A_55 = arith.constant 0 : index
    %swap3A_56 = vector.load %arg3[%swap3A_53, %swap3A_54, %swap3A_55] : memref<1250x8x128xf32, #tpu.memory_space<vmem>>, vector<1250x1x128xf32>
    %swap3A_57 = vector.shape_cast %swap3A_56 : vector<1250x1x128xf32> to vector<1250x128xf32>
    %swap3A_58 = vector.shape_cast %add3A_52 : vector<1250x128xf32> to vector<1250x1x128xf32>
    tpu.vector_store %arg3[%swap3A_53, %swap3A_54, %swap3A_55], %swap3A_58 {strides = array<i32>} : memref<1250x8x128xf32, #tpu.memory_space<vmem>>, vector<1250x1x128xf32>,
    %slice3A_59 = vector.extract_strided_slice %dot_general3A_12 {offsets = [0, 512], sizes = [1250, 128], strides = [1, 1]} : vector<1250x1024xf32> to vector<1250x128xf32>
    %get3A_60 = arith.constant 0 : index
    %get3A_61 = arith.constant 0 : index
    %get3A_62 = vector.load %arg2[%get3A_60, %get3A_61] : memref<1x128xf32, #tpu.memory_space<vmem>>, vector<1x128xf32>
    %add3A_63 = vector.broadcast %get3A_62 : vector<1x128xf32> to vector<1250x128xf32>
    %add3A_64 = arith.addf %slice3A_59, %add3A_63 : vector<1250x128xf32>
    %swap3A_65 = arith.constant 0 : index
    %swap3A_66 = arith.constant 4 : index
    %swap3A_67 = arith.constant 0 : index
    %swap3A_68 = vector.load %arg3[%swap3A_65, %swap3A_66, %swap3A_67] : memref<1250x8x128xf32, #tpu.memory_space<vmem>>, vector<1250x1x128xf32>
    %swap3A_69 = vector.shape_cast %swap3A_68 : vector<1250x1x128xf32> to vector<1250x128xf32>
    %swap3A_70 = vector.shape_cast %add3A_64 : vector<1250x128xf32> to vector<1250x1x128xf32>
    tpu.vector_store %arg3[%swap3A_65, %swap3A_66, %swap3A_67], %swap3A_70 {strides = array<i32>} : memref<1250x8x128xf32, #tpu.memory_space<vmem>>, vector<1250x1x128xf32>,
    %slice3A_71 = vector.extract_strided_slice %dot_general3A_12 {offsets = [0, 640], sizes = [1250, 128], strides = [1, 1]} : vector<1250x1024xf32> to vector<1250x128xf32>
    %get3A_72 = arith.constant 0 : index
    %get3A_73 = arith.constant 0 : index
    %get3A_74 = vector.load %arg2[%get3A_72, %get3A_73] : memref<1x128xf32, #tpu.memory_space<vmem>>, vector<1x128xf32>
    %add3A_75 = vector.broadcast %get3A_74 : vector<1x128xf32> to vector<1250x128xf32>
    %add3A_76 = arith.addf %slice3A_71, %add3A_75 : vector<1250x128xf32>
    %swap3A_77 = arith.constant 0 : index
    %swap3A_78 = arith.constant 5 : index
    %swap3A_79 = arith.constant 0 : index
    %swap3A_80 = vector.load %arg3[%swap3A_77, %swap3A_78, %swap3A_79] : memref<1250x8x128xf32, #tpu.memory_space<vmem>>, vector<1250x1x128xf32>
    %swap3A_81 = vector.shape_cast %swap3A_80 : vector<1250x1x128xf32> to vector<1250x128xf32>
    %swap3A_82 = vector.shape_cast %add3A_76 : vector<1250x128xf32> to vector<1250x1x128xf32>
    tpu.vector_store %arg3[%swap3A_77, %swap3A_78, %swap3A_79], %swap3A_82 {strides = array<i32>} : memref<1250x8x128xf32, #tpu.memory_space<vmem>>, vector<1250x1x128xf32>,
    %slice3A_83 = vector.extract_strided_slice %dot_general3A_12 {offsets = [0, 768], sizes = [1250, 128], strides = [1, 1]} : vector<1250x1024xf32> to vector<1250x128xf32>
    %get3A_84 = arith.constant 0 : index
    %get3A_85 = arith.constant 0 : index
    %get3A_86 = vector.load %arg2[%get3A_84, %get3A_85] : memref<1x128xf32, #tpu.memory_space<vmem>>, vector<1x128xf32>
    %add3A_87 = vector.broadcast %get3A_86 : vector<1x128xf32> to vector<1250x128xf32>
    %add3A_88 = arith.addf %slice3A_83, %add3A_87 : vector<1250x128xf32>
    %swap3A_89 = arith.constant 0 : index
    %swap3A_90 = arith.constant 6 : index
    %swap3A_91 = arith.constant 0 : index
    %swap3A_92 = vector.load %arg3[%swap3A_89, %swap3A_90, %swap3A_91] : memref<1250x8x128xf32, #tpu.memory_space<vmem>>, vector<1250x1x128xf32>
    %swap3A_93 = vector.shape_cast %swap3A_92 : vector<1250x1x128xf32> to vector<1250x128xf32>
    %swap3A_94 = vector.shape_cast %add3A_88 : vector<1250x128xf32> to vector<1250x1x128xf32>
    tpu.vector_store %arg3[%swap3A_89, %swap3A_90, %swap3A_91], %swap3A_94 {strides = array<i32>} : memref<1250x8x128xf32, #tpu.memory_space<vmem>>, vector<1250x1x128xf32>,
    %slice3A_95 = vector.extract_strided_slice %dot_general3A_12 {offsets = [0, 896], sizes = [1250, 128], strides = [1, 1]} : vector<1250x1024xf32> to vector<1250x128xf32>
    %get3A_96 = arith.constant 0 : index
    %get3A_97 = arith.constant 0 : index
    %get3A_98 = vector.load %arg2[%get3A_96, %get3A_97] : memref<1x128xf32, #tpu.memory_space<vmem>>, vector<1x128xf32>
    %add3A_99 = vector.broadcast %get3A_98 : vector<1x128xf32> to vector<1250x128xf32>
    %add3A_100 = arith.addf %slice3A_95, %add3A_99 : vector<1250x128xf32>
    %swap3A_101 = arith.constant 0 : index
    %swap3A_102 = arith.constant 7 : index
    %swap3A_103 = arith.constant 0 : index
    %swap3A_104 = vector.load %arg3[%swap3A_101, %swap3A_102, %swap3A_103] : memref<1250x8x128xf32, #tpu.memory_space<vmem>>, vector<1250x1x128xf32>
    %swap3A_105 = vector.shape_cast %swap3A_104 : vector<1250x1x128xf32> to vector<1250x128xf32>
    %swap3A_106 = vector.shape_cast %add3A_100 : vector<1250x128xf32> to vector<1250x1x128xf32>
    tpu.vector_store %arg3[%swap3A_101, %swap3A_102, %swap3A_103], %swap3A_106 {strides = array<i32>} : memref<1250x8x128xf32, #tpu.memory_space<vmem>>, vector<1250x1x128xf32>,
    return
  }
}

</mosaic_0001>

<sc_bundles>
// kernel: kernel.10.cloned.1.call-start
scs
__scs_entry_jumppad:
0x0: {  	(pc) =	sbr.rel $0x88, $3  }
0x1: {  	(tag) =	ssettag $0x0;
	lr =	simm.s32 $0x1  }
0x2: {  	[smem:$0x3F9B] =	sst lr;
	_ =	strace $0xD0000000  }
0x3: {  	_ = 	snop  }
0x4: {  	_ = 	snop  }
0x5: {  	_ = 	snop  }
0x6: {  	_ = 	snop  }
0x7: {  	_ = 	snop  }
__scs_overlays_trampoline_lowered:
0x8: {  	[smem:$0x3FAA] =	sst s0  }
0x9: {  	[smem:$0x3FAB] =	sst s1  }
0xa: {  	[smem:$0x3FAC] =	sst s2  }
0xb: {  	[smem:$0x3FAD] =	sst s3  }
0xc: {  	[smem:$0x3FAE] =	sst s4  }
0xd: {  	[smem:$0x3FAF] =	sst s5  }
0xe: {  	[smem:$0x3FB0] =	sst s6  }
0xf: {  	[smem:$0x3FB1] =	sst s7  }
0x10: {  	[smem:$0x3FB2] =	sst s8  }
0x11: {  	[smem:$0x3FB3] =	sst s9;
	s0 =	simm.s32 @!p0 $0x0  }
0x12: {  	s1 =	sld [smem:$0x3F99];
	s0 =	simm.s32 @p0 $0x1  }
0x13: {  	[smem:$0x3FB4] =	sst s0;
	s0 =	simm.s32 @!p1 $0x0  }
0x14: {  	s2 =	sld [smem:$0x3F98];
	s0 =	simm.s32 @p1 $0x1  }
0x15: {  	[smem:$0x3FB5] =	sst s0;
	s0 =	simm.s32 @!p2 $0x0  }
0x16: {  	s3 =	sld [smem:$0x3FDB];
	s0 =	simm.s32 @p2 $0x1  }
0x17: {  	s4 =	simm.s32 $0x1BF5;
	[smem:$0x3FB7] =	sst s0  }
0x18: {  	s0 =	sld [smem:$0x3F9A];
	_ =	swait.ge [sflag:s4], $0x0  }
0x19: {  	s7 =	sld [smem:$0x3F9B]  }
0x1a: {  	s8 =	sadd.s32 $0xFFFFE003, lr  }
0x1b: {  	s9 =	sadd.s32 $0xFFFFFEF7, lr;
	s5 =	simm.s32 $0xFFFFFFFF;
	p2 =	slt.u32 s8, $0xFFFFF086  }
0x1c: {  	p1 =	slt.u32 s9, $0xF7A;
	s5 =	simm.s32 @!p2 $0x0  }
0x1d: {  	s5 =	simm.s32 @p1 $0x1;
	p0 =	seq.s32 s7, s2  }
0x1e: {  	s7 =	smul.u32 @!p0 $0xF7A, s2;
	p2 =	seq.s32 @!p0 s5, $0x0  }
0x1f: {  	s9 =	smul.u32 $0xF7A, s1;
	s8 =	simm.s32 @!p0 $0x1BF5;
	p2 =	por !p2, p0  }
0x20: {  	[sflag:s8] =	ssyncset.s32 @!p0 $0xFFFFF086;
	s6 =	sadd.s32 @!p0 s3, s7;
	s7 =	simm.s32 @!p0 $0x108  }
0x21: {  	s3 =	sadd.s32 s3, s9;
	s6 =	sadd.s32 @!p0 $0x88, s6;
	s7 =	simm.s32 @p2 $0x1082  }
0x22: {  	[simem:s7], [sflag:s8] =	dma.local @!p0 [hbm:s6], $0xF7A  }
0x23: {  	s9 =	sor.u32 $0xD0000000, s2;
	s6 =	simm.s32 $0x108;
	_ =	swait.ge @!p0 [sflag:s8], $0x0  }
0x24: {  	s3 =	sadd.s32 $0x88, s3;
	s6 =	simm.s32 @!p1 $0x1082;
	[sflag:s4] =	ssyncset.s32 $0xFFFFF086  }
0x25: {  	[simem:s6], [sflag:s4] =	dma.local [hbm:s3], $0xF7A  }
0x26: {  	[smem:$0x3F9B] =	sst s1;
	(tag) =	ssettag s2;
	_ =	strace s9  }
0x27: {  	s1 =	sld [smem:$0x3FAB]  }
0x28: {  	s2 =	sld [smem:$0x3FAC]  }
0x29: {  	s4 =	sld [smem:$0x3FAE]  }
0x2a: {  	p0 =	seq.s32 s5, $0x0;
	s5 =	sld [smem:$0x3FAF]  }
0x2b: {  	s6 =	sld [smem:$0x3FB0]  }
0x2c: {  	s7 =	sld [smem:$0x3FB1]  }
0x2d: {  	s3 =	simm.s32 $0x108;
	s8 =	sld [smem:$0x3FB2]  }
0x2e: {  	s3 =	simm.s32 @!p0 $0x1082;
	s9 =	sld [smem:$0x3FB3]  }
0x2f: {  	lr =	sadd.s32 s0, s3;
	s0 =	sld [smem:$0x3FAA]  }
0x30: {  	s3 =	sld [smem:$0x3FAD]  }
0x31: {  	[smem:$0x3FB6] =	sst s10  }
0x32: {  	s10 =	sld [smem:$0x3FB4];
	_ =	sdelay $0x3  }
0x33: {  	p0 =	seq.s32 s10, $0x1;
	s10 =	sld [smem:$0x3FB6];
	_ =	sdelay $0x3  }
0x34: {  	[smem:$0x3FB6] =	sst s10  }
0x35: {  	s10 =	sld [smem:$0x3FB5];
	_ =	sdelay $0x3  }
0x36: {  	p1 =	seq.s32 s10, $0x1;
	s10 =	sld [smem:$0x3FB6];
	_ =	sdelay $0x3  }
0x37: {  	[smem:$0x3FB6] =	sst s10  }
0x38: {  	s10 =	sld [smem:$0x3FB7]  }
0x39: {  	_ = 	snop;
	(pc) =	sbr.ind lr, $3  }
0x3a: {  	_ = 	snop  }
0x3b: {  	_ = 	snop  }
0x3c: {  	p2 =	seq.s32 s10, $0x1;
	s10 =	sld [smem:$0x3FB6]  }
0x3d: {  	_ =	shalt  }
0x3e: {  	_ =	shalt  }
0x3f: {  	_ =	shalt  }
0x40: {  	_ =	shalt  }
0x41: {  	_ =	shalt  }
0x42: {  	_ =	shalt  }
0x43: {  	_ =	shalt  }
0x44: {  	_ =	shalt  }
0x45: {  	_ =	shalt  }
0x46: {  	_ =	shalt  }
0x47: {  	_ =	shalt  }
0x48: {  	_ =	shalt  }
0x49: {  	_ =	shalt  }
0x4a: {  	_ =	shalt  }
0x4b: {  	_ =	shalt  }
0x4c: {  	_ =	shalt  }
0x4d: {  	_ =	shalt  }
0x4e: {  	_ =	shalt  }
0x4f: {  	_ =	shalt  }
0x50: {  	_ =	shalt  }
0x51: {  	_ =	shalt  }
0x52: {  	_ =	shalt  }
0x53: {  	_ =	shalt  }
0x54: {  	_ =	shalt  }
0x55: {  	_ =	shalt  }
0x56: {  	_ =	shalt  }
0x57: {  	_ =	shalt  }
0x58: {  	_ =	shalt  }
0x59: {  	_ =	shalt  }
0x5a: {  	_ =	shalt  }
0x5b: {  	_ =	shalt  }
0x5c: {  	_ =	shalt  }
0x5d: {  	_ =	shalt  }
0x5e: {  	_ =	shalt  }
0x5f: {  	_ =	shalt  }
0x60: {  	_ =	shalt  }
0x61: {  	_ =	shalt  }
0x62: {  	_ =	shalt  }
0x63: {  	_ =	shalt  }
0x64: {  	_ =	shalt  }
0x65: {  	_ =	shalt  }
0x66: {  	_ =	shalt  }
0x67: {  	_ =	shalt  }
0x68: {  	_ =	shalt  }
0x69: {  	_ =	shalt  }
0x6a: {  	_ =	shalt  }
0x6b: {  	_ =	shalt  }
0x6c: {  	_ =	shalt  }
0x6d: {  	_ =	shalt  }
0x6e: {  	_ =	shalt  }
0x6f: {  	_ =	shalt  }
0x70: {  	_ =	shalt  }
0x71: {  	_ =	shalt  }
0x72: {  	_ =	shalt  }
0x73: {  	_ =	shalt  }
0x74: {  	_ =	shalt  }
0x75: {  	_ =	shalt  }
0x76: {  	_ =	shalt  }
0x77: {  	_ =	shalt  }
0x78: {  	_ =	shalt  }
0x79: {  	_ =	shalt  }
0x7a: {  	_ =	shalt  }
0x7b: {  	_ =	shalt  }
0x7c: {  	_ =	shalt  }
0x7d: {  	_ =	shalt  }
0x7e: {  	_ =	shalt  }
0x7f: {  	_ =	shalt  }
0x80: {  	_ =	shalt  }
0x81: {  	_ =	shalt  }
0x82: {  	_ =	shalt  }
0x83: {  	_ =	shalt  }
0x84: {  	_ =	shalt  }
0x85: {  	_ =	shalt  }
0x86: {  	_ =	shalt  }
0x87: {  	_ =	shalt  }
.Lfunc_end0:
.L_simem_size_0:
called_computation.1_lowered:
.L_overlay_start_0:
0x88: {  	s2 =	sld [smem:$0x3FD9]  }
0x89: {  	s3 =	sld [smem:$0x3FFE];
	_ =	sdelay $0x1  }
0x8a: {  	s1 =	srdreg.scid  }
0x8b: {  	s0 =	sand.u32 $0x1, s1  }
0x8c: {  	s17 =	sshll.u32 s0, $0xA;
	s2 =	sadd.s32 s3, s2  }
0x8d: {  	s2 =	sadd.s32 s2, s17  }
0x8e: {  	[smem:$0x3FC2] =	sst s2  }
0x8f: {  	_ = 	snop  }
0x90: {  	s2 =	sld [smem:$0x3FD0];
	(tm) =	ssettm $0x1  }
0x91: {  	s18 =	sld [smem:$0x3FFB];
	_ =	sdelay $0x3  }
0x92: {  	_ =	strace s18  }
0x93: {  	s3 =	sld [smem:$0x3FFC];
	_ =	sdelay $0x3  }
0x94: {  	_ =	strace s3  }
0x95: {  	s3 =	sld [smem:$0x3FFD];
	_ =	sdelay $0x3  }
0x96: {  	_ =	strace s3  }
0x97: {  	_ =	strace $0x8FFFFFFF  }
0x98: {  	s19 =	sld [smem:$0x3FDB];
	_ =	sdelay $0x1  }
0x99: {  	s4 =	simm.s32 $_scs_section_size  }
0x9a: {  	s5 =	simm.s32 $_size__tile_overlayer_lowered;
	s6 =	simm.s32 $_tile_overlayer_lowered  }
0x9b: {  	s22 =	simm.s32 $0x1BFF;
	s21 =	sshll.u32 s6, $0x1;
	s3 =	sadd.s32 s4, s19  }
0x9c: {  	s7 =	simm.s32 $0x0;
	s20 =	sshll.u32 s5, $0x1;
	s5 =	sadd.s32 s21, s3  }
0x9d: {  	[timem:s7], [sflag:s22] =	dma.local [hbm:s5], s20  }
0x9e: {  	_ =	swait.ge [sflag:s22], s20  }
0x9f: {  	s4 =	ssub.s32 $0x0, s20;
	[sflag:s22] =	ssyncset.done $0x0  }
0xa0: {  	[sflag:s22] =	ssyncadd.s32 s4;
	_ =	sdelay $0x1  }
0xa1: {  	s23 =	simm.s32 $0x1B8B  }
0xa2: {  	_ =	swait.ge [sflag:s23], $0x1  }
0xa3: {  	[sflag:s23] =	ssyncset.done $0x0  }
0xa4: {  	s25 =	simm.s32 $0x1B8E;
	s24 =	sld [smem:$0x3FFE];
	[sflag:s23] =	ssyncadd.s32 $0xFFFFFFFF  }
0xa5: {  	s26 =	simm.s32 $execute0_lowered;
	[smem:$0x3FD2] =	sst s25  }
0xa6: {  	s5 =	sshll.u32 s26, $0x1;
	_ =	strace $0x80000049;
	[dreg:$0x1] =	wrdreg $0xFFFFFFFF  }
0xa7: {  	s28 =	simm.s32 $_size_execute0_lowered;
	s3 =	sadd.s32 s3, s5;
	[dreg:$0x0] =	wrdreg $0x0  }
0xa8: {  	s5 =	sshll.u32 s28, $0x1;
	[dreg:$0x2] =	wrdreg s3  }
0xa9: {  	[dreg:$0x3] =	wrdreg s5  }
0xaa: {  	[dreg:$0x4] =	wrdreg $0xC0  }
0xab: {  	_ =	task [dreg:s7], $0x5FFFF  }
0xac: {  	[dreg:$0x1] =	wrdreg $0xFFFFFFFF  }
0xad: {  	[dreg:$0x0] =	wrdreg $0x60  }
0xae: {  	[dreg:$0x2] =	wrdreg s24  }
0xaf: {  	[dreg:$0x3] =	wrdreg s2  }
0xb0: {  	[dreg:$0x4] =	wrdreg $0x1AF000  }
0xb1: {  	[dreg:$0x5] =	wrdreg $0x9  }
0xb2: {  	_ =	task.clear_ibuf [dreg:s7], $0x6FFFF;
	_ =	strace $0x90000049  }
0xb3: {  	s29 =	simm.s32 $0x9;
	_ =	strace $0x8000004B  }
0xb4: {  	_ =	swait.ge [sflag:s29], $0x1  }
0xb5: {  	[sflag:s29] =	ssyncadd.s32 $0xFFFFFFFF  }
0xb6: {  	_ =	strace $0x9000004B  }
0xb7: {  	_ =	sfence  }
0xb8: {  	s30 =	sld [smem:$0x0];
	_ =	sdelay $0x2  }
0xb9: {  	s31 =	sshll.u32 s1, $0xD;
	s1 =	sshrl.u32 s1, $0x2  }
0xba: {  	s3 =	sand.u32 $0x4000, s31;
	s1 =	sadd.s32 s1, s30  }
0xbb: {  	s0 =	sor.u32 s3, s0;
	s1 =	sshll.u32 s1, $0x11  }
0xbc: {  	s0 =	sor.u32 s1, s0  }
0xbd: {  	s0 =	sadd.s32 $0x8F2B, s0  }
0xbe: {  	[sflag:s0] =	ssyncadd.remote.s32 $0x1  }
0xbf: {  	_ =	sfence.sel $0xFFFF  }
0xc0: {  	[dreg:$0x0] =	wrdreg $0xFFFFFFFF;
	(pc) =	sbr.abs _section_cstart, $3  }
0xc1: {  	[dreg:$0x1] =	wrdreg $0xFFFFFFFF  }
0xc2: {  	_ =	task.clear_ibuf [dreg:s7], $0x2FFFF;
	_ =	strace $0x9FFFFFFF  }
0xc3: {  	(tm) =	ssettm $0x7FFFFFFF  }
tec
execute0_lowered:
.L_overlay_start_1:
0x0: {  	(tag) =	ssettag $0x1  }
0x1: {  	s0 =	rddreg [dreg:$0x0]  }
0x2: {  	s1 =	rddreg [dreg:$0x1]  }
0x3: {  	s2 =	rddreg [dreg:$0x2]  }
0x4: {  	s4 =	srdreg.scid;
	s3 =	simm.s32 $0x0;
	s8 =	stileid.u32  }
0x5: {  	s12 =	simm.s32 $0x2700;
	s14 =	simm.s32 $0x680;
	s15 =	simm.s32 $0x4F00  }
0x6: {  	s16 =	simm.s32 $0xB700;
	s18 =	simm.s32 $0x11F00;
	s20 =	simm.s32 $0x7  }
0x7: {  	s21 =	simm.s32 $0x4;
	s23 =	simm.s32 $0x2;
	s25 =	simm.s32 $0x5  }
0x8: {  	s28 =	simm.s32 $0x3;
	s30 =	simm.s32 $0x6;
	s17 =	simm.s32 $0x4780  }
0x9: {  	s19 =	simm.s32 $0x0;
	s5 =	sand.u32 $0x1, s4;
	[smem:$0x7FF] =	sst s3  }
0xa: {  	s7 =	smul.u32 $0x2800, s8;
	s4 =	sshll.u32 s5, $0x4;
	_ =	strace $0x8000004A  }
0xb: {  	s6 =	smul.u32 $0x28000, s5;
	s5 =	ssub.s32 $0x2, s5;
	s13 =	sor.u32 s8, s4  }
0xc: {  	s4 =	sadd.s32 $0x1C00, s0;
	s8 =	sshll.u32 s8, $0x4;
	s31 =	sshrl.u32 s5, $0x1  }
0xd: {  	s9 =	smul.u32 $0x2700, s13;
	s10 =	sadd.s32 s8, s0;
	s6 =	sadd.s32 s7, s6  }
0xe: {  	s11 =	ssub.s32 s5, s31;
	s7 =	sadd.s32 s7, s2;
	p0 =	sgt.u32 s13, $0x3  }
0xf: {  	s13 =	simm.s32 $0x1;
	s6 =	sshrl.u32 s6, $0x3;
	s8 =	sadd.s32 $0x1A00, s10  }
0x10: {  	s11 =	smax.u32 s11, $0x1;
	s9 =	sshrl.u32 s9, $0x3;
	s0 =	sadd.s32 s6, s0  }
0x11: {  	s5 =	sadd.s32 s1, s9;
	s9 =	sadd.s32 $0x1A40, s10;
	s10 =	sadd.s32 $0x6C00, s0  }
0x12: {  	v0 =	vimm.f32 $0.0e+00;
	s0 =	simm.s32 $0x3A80;
	s1 =	simm.s32 $0x4100;
	s6 =	sadd.s32 $0x9C00, s5  }
.LBB2_1:
0x13: {  	[tilespmem:s3], [sflag:$0x1] =	stream.linear.gather [hbm4b:s5+s3], $0x2700, $0x38;
	[tilespmem:$0x1D700] =	vst v63  }
0x14: {  	s22 =	simm.s32 $0x40;
	s24 =	simm.s32 $0x0  }
0x15: {  	[tilespmem:s12], [sflag:$0x4] =	stream.linear.gather [hbm4b:s6+s3], $0x2700, $0x38;
	[tilespmem:$0x1D700] =	vst v63  }
.LBB2_2:
0x16: {  	p1 =	sne.s32 s22, $0x9FC0;
	[tilespmem:s24+$0x18700] =	vst v0;
	s24 =	smov.u32 s22;
	s22 =	sadd.s32 $0x40, s22  }
.Ltmp0:
0x17: {  	(pc) =	sbr.rel @p1 .LBB2_2-.Ltmp0, $2  }
0x18: {  	_ =	sdelay $0x2  }
0x19: {  	s24 =	sshra.s32 s24, $0x2  }
0x1a: {  	[tilespmem:s24+$0x18700] =	vst v0  }
0x1b: {  	_ =	swait.ge [sflag:s13], $0x2700  }
0x1c: {  	[sflag:s13] =	ssyncset.done $0x0  }
0x1d: {  	[sflag:s13] =	ssyncadd.s32 $0xFFFFD900  }
0x1e: {  	[tilespmem:s15], [sflag:$0x1] =	stream.indirect.gather [hbm4b:s4+s14], $0x10, s3, s14, $0xb8;
	[tilespmem:$0x1D700] =	vst v63  }
0x1f: {  	_ = 	snop  }
0x20: {  	[tilespmem:s16], [sflag:$0x2] =	stream.indirect.gather [hbm4b:s4+s14], $0x10, s14, s14, $0xb8;
	[tilespmem:$0x1D700] =	vst v63  }
0x21: {  	s22 =	simm.s32 $0xD00  }
0x22: {  	[tilespmem:s18], [sflag:$0x3] =	stream.indirect.gather [hbm4b:s4+s14], $0x10, s22, s14, $0xb8;
	[tilespmem:$0x1D700] =	vst v63  }
0x23: {  	s29 =	simm.s32 $0x18700  }
0x24: {  	[spmem:s7] =	stream.linear.scatter [tilespmem:s29], [sflag:$0x7], $0x2800, $0x38;
	[tilespmem:$0x1D700] =	vst v63  }
0x25: {  	_ =	swait.ge [sflag:s20], $0x2800  }
0x26: {  	[sflag:s20] =	ssyncset.done $0x0  }
0x27: {  	[sflag:s20] =	ssyncadd.s32 $0xFFFFD800  }
0x28: {  	_ =	swait.ge [sflag:s21], $0x2700  }
0x29: {  	s24 =	simm.s32 @!p0 $0x0;
	[sflag:s21] =	ssyncset.done $0x0  }
0x2a: {  	s26 =	simm.s32 @!p0 $0x4E00;
	s22 =	simm.s32 @!p0 $0x7;
	[sflag:s21] =	ssyncadd.s32 $0xFFFFD900  }
0x2b: {  	[tilespmem:s26], [sflag:$0x7] =	stream.linear.gather @!p0 [hbm4b:s8+s24], $0x80, $0x38;
	[tilespmem:$0x1D700] =	vst v63  }
0x2c: {  	_ =	swait.ge @!p0 [sflag:s22], $0x80  }
0x2d: {  	[sflag:s22] =	ssyncset.done @!p0 $0x0  }
0x2e: {  	s29 =	simm.s32 @!p0 $0x4E80;
	[sflag:s22] =	ssyncadd.s32 @!p0 $0xFFFFFF80  }
0x2f: {  	[tilespmem:s29], [sflag:$0x7] =	stream.linear.gather @!p0 [hbm4b:s9+s24], $0x80, $0x38;
	[tilespmem:$0x1D700] =	vst v63  }
0x30: {  	_ =	swait.ge @!p0 [sflag:s22], $0x80  }
0x31: {  	[sflag:s22] =	ssyncset.done @!p0 $0x0  }
0x32: {  	[sflag:s22] =	ssyncadd.s32 @!p0 $0xFFFFFF80  }
0x33: {  	[bflag:$0x0] =	sbarrier.arrive $0xFFFF  }
0x34: {  	_ =	swait.ge [sflag:s13], $0x6800  }
0x35: {  	[sflag:s13] =	ssyncset.done $0x0  }
0x36: {  	[sflag:s13] =	ssyncadd.s32 $0xFFFF9800  }
0x37: {  	[spmem:s2] =	stream.indirect.scatter.add.f32 [tilespmem:s15], [sflag:$0x4], $0x10, s12, s14, $0xb8;
	[tilespmem:$0x1D700] =	vst v63  }
0x38: {  	_ =	swait.ge [sflag:s21], $0x6800  }
0x39: {  	[sflag:s21] =	ssyncset.done $0x0  }
0x3a: {  	s31 =	simm.s32 $0x1380;
	[sflag:s21] =	ssyncadd.s32 $0xFFFF9800  }
0x3b: {  	[tilespmem:s15], [sflag:$0x1] =	stream.indirect.gather [hbm4b:s4+s14], $0x10, s31, s14, $0xb8;
	[tilespmem:$0x1D700] =	vst v63  }
0x3c: {  	_ =	swait.ge [sflag:s23], $0x6800  }
0x3d: {  	[sflag:s23] =	ssyncset.done $0x0  }
0x3e: {  	s31 =	simm.s32 $0x2D80;
	[sflag:s23] =	ssyncadd.s32 $0xFFFF9800  }
0x3f: {  	[spmem:s2] =	stream.indirect.scatter.add.f32 [tilespmem:s16], [sflag:$0x5], $0x10, s31, s14, $0xb8;
	[tilespmem:$0x1D700] =	vst v63  }
0x40: {  	_ =	swait.ge [sflag:s25], $0x6800  }
0x41: {  	[sflag:s25] =	ssyncset.done $0x0  }
0x42: {  	s31 =	simm.s32 $0x1A00;
	[sflag:s25] =	ssyncadd.s32 $0xFFFF9800  }
0x43: {  	[tilespmem:s16], [sflag:$0x2] =	stream.indirect.gather [hbm4b:s4+s14], $0x10, s31, s14, $0xb8;
	[tilespmem:$0x1D700] =	vst v63  }
0x44: {  	_ =	swait.ge [sflag:s28], $0x6800  }
0x45: {  	[sflag:s28] =	ssyncset.done $0x0  }
0x46: {  	s31 =	simm.s32 $0x3400;
	[sflag:s28] =	ssyncadd.s32 $0xFFFF9800  }
0x47: {  	[spmem:s2] =	stream.indirect.scatter.add.f32 [tilespmem:s18], [sflag:$0x6], $0x10, s31, s14, $0xb8;
	[tilespmem:$0x1D700] =	vst v63  }
0x48: {  	_ =	swait.ge [sflag:s30], $0x6800  }
0x49: {  	[sflag:s30] =	ssyncset.done $0x0  }
0x4a: {  	s31 =	simm.s32 $0x2080;
	[sflag:s30] =	ssyncadd.s32 $0xFFFF9800  }
0x4b: {  	[tilespmem:s18], [sflag:$0x3] =	stream.indirect.gather [hbm4b:s4+s14], $0x10, s31, s14, $0xb8;
	[tilespmem:$0x1D700] =	vst v63  }
0x4c: {  	_ =	swait.ge [sflag:s13], $0x6800  }
0x4d: {  	[sflag:s13] =	ssyncset.done $0x0  }
0x4e: {  	[sflag:s13] =	ssyncadd.s32 $0xFFFF9800  }
0x4f: {  	[spmem:s2] =	stream.indirect.scatter.add.f32 [tilespmem:s15], [sflag:$0x4], $0x10, s0, s14, $0xb8;
	[tilespmem:$0x1D700] =	vst v63  }
0x50: {  	_ =	swait.ge [sflag:s23], $0x6800  }
0x51: {  	[sflag:s23] =	ssyncset.done $0x0  }
0x52: {  	[sflag:s23] =	ssyncadd.s32 $0xFFFF9800  }
0x53: {  	[spmem:s2] =	stream.indirect.scatter.add.f32 [tilespmem:s16], [sflag:$0x5], $0x10, s1, s14, $0xb8;
	[tilespmem:$0x1D700] =	vst v63  }
0x54: {  	_ =	swait.ge [sflag:s28], $0x6800  }
0x55: {  	[sflag:s28] =	ssyncset.done $0x0  }
0x56: {  	[sflag:s28] =	ssyncadd.s32 $0xFFFF9800  }
0x57: {  	[spmem:s2] =	stream.indirect.scatter.add.f32 [tilespmem:s18], [sflag:$0x6], $0x10, s17, s14, $0xb8;
	[tilespmem:$0x1D700] =	vst v63  }
0x58: {  	_ =	swait.ge [sflag:s21], $0x6800  }
0x59: {  	[sflag:s21] =	ssyncset.done $0x0  }
0x5a: {  	[sflag:s21] =	ssyncadd.s32 $0xFFFF9800  }
0x5b: {  	_ =	swait.ge [sflag:s25], $0x6800  }
0x5c: {  	[sflag:s25] =	ssyncset.done $0x0  }
0x5d: {  	[sflag:s25] =	ssyncadd.s32 $0xFFFF9800  }
0x5e: {  	_ =	swait.ge [sflag:s30], $0x6800  }
0x5f: {  	[sflag:s30] =	ssyncset.done $0x0  }
0x60: {  	s24 =	simm.s32 @!p0 $0x80;
	s31 =	simm.s32 @!p0 $0x4F00;
	[sflag:s30] =	ssyncadd.s32 $0xFFFF9800  }
0x61: {  	[tilespmem:s31], [sflag:$0x7] =	stream.indirect.gather @!p0 [hbm4b:s4+s24], $0x10, s26, s24, $0xb8;
	[tilespmem:$0x1D700] =	vst v63  }
0x62: {  	_ =	swait.ge @!p0 [sflag:s22], $0x800  }
0x63: {  	[sflag:s22] =	ssyncset.done @!p0 $0x0  }
0x64: {  	[sflag:s22] =	ssyncadd.s32 @!p0 $0xFFFFF800  }
0x65: {  	[spmem:s2] =	stream.indirect.scatter.add.f32 @!p0 [tilespmem:s31], [sflag:$0x7], $0x10, s29, s24, $0xb8;
	[tilespmem:$0x1D700] =	vst v63  }
0x66: {  	s19 =	sadd.s32 $0x1, s19;
	_ =	swait.ge @!p0 [sflag:s22], $0x800  }
0x67: {  	p1 =	sne.s32 s19, s11;
	s29 =	stileid.u32;
	[sflag:s22] =	ssyncset.done @!p0 $0x0  }
0x68: {  	s31 =	sshrl.u32 s7, $0x3;
	[sflag:s22] =	ssyncadd.s32 @!p0 $0xFFFFF800;
	s22 =	sshll.u32 s29, $0x6  }
.Ltmp1:
0x69: {  	[bflag:$0x0] =	sbarrier.arrive $0xFFFF;
	s22 =	sor.u32 $0x1C07, s22;
	(pc) =	sbr.rel @p1 .LBB2_1-.Ltmp1, $4  }
0x6a: {  	[hbm:s10], [sflag:s22] =	dma.local [spmem:s31], $0x500  }
0x6b: {  	_ =	swait.ge [sflag:s20], $0x500  }
0x6c: {  	[sflag:s20] =	ssyncset.done $0x0  }
0x6d: {  	[sflag:s20] =	ssyncadd.s32 $0xFFFFFB00  }
0x6e: {  	_ =	sfence.sel $0x180000  }
0x6f: {  	[bflag:$0x0] =	sbarrier.arrive $0xFFFF  }
0x70: {  	_ =	strace $0x9000004A  }
0x71: {  	s0 =	stileid.u32;
	[bflag:$0x2] =	sbarrier.arrive $0xFFFF  }
0x72: {  	p0 =	sne.s32 s0, $0x0;
	s0 =	rddreg [dreg:$0x3]  }
0x73: {  	s0 =	sadd.s32 @!p0 $0x100000, s0  }
0x74: {  	[sflag:s0] =	ssyncadd.tile.s32 @!p0 $0x1;
	_ =	shalt  }
.Lfunc_end2:
_tile_overlayer_lowered:
.L_overlay_start_2:
0x75: {  	(tag) =	ssettag $0x2  }
0x76: {  	s0 =	rddreg [dreg:$0x0];
	s2 =	stileid.u32  }
0x77: {  	s1 =	rddreg [dreg:$0x1];
	p0 =	sne.s32 s2, $0x0  }
0x78: {  	s3 =	rddreg [dreg:$0x2];
	[bflag:$0x3] =	sbarrier.arrive $0xFFFF;
	s2 =	simm.s32 @!p0 $0x1C07  }
0x79: {  	[timem:s3], [sflag:s2] =	dma.local @!p0 [hbm:s0], s1  }
0x7a: {  	s0 =	simm.s32 @!p0 $0x7  }
0x7b: {  	_ =	swait.ge @!p0 [sflag:s0], s1  }
0x7c: {  	s1 =	ssub.s32 @!p0 $0x0, s1;
	[sflag:s0] =	ssyncset.done @!p0 $0x0  }
0x7d: {  	[sflag:s0] =	ssyncadd.s32 @!p0 s1  }
0x7e: {  	[bflag:$0x3] =	sbarrier.arrive $0xFFFF  }
0x7f: {  	_ =	shalt  }

// kernel: kernel.7.cloned.1.call-start
scs
__scs_entry_jumppad:
0x0: {  	(pc) =	sbr.rel $0x88, $3  }
0x1: {  	(tag) =	ssettag $0x0;
	lr =	simm.s32 $0x1  }
0x2: {  	[smem:$0x3F9B] =	sst lr;
	_ =	strace $0xD0000000  }
0x3: {  	_ = 	snop  }
0x4: {  	_ = 	snop  }
0x5: {  	_ = 	snop  }
0x6: {  	_ = 	snop  }
0x7: {  	_ = 	snop  }
__scs_overlays_trampoline_lowered:
0x8: {  	[smem:$0x3FAA] =	sst s0  }
0x9: {  	[smem:$0x3FAB] =	sst s1  }
0xa: {  	[smem:$0x3FAC] =	sst s2  }
0xb: {  	[smem:$0x3FAD] =	sst s3  }
0xc: {  	[smem:$0x3FAE] =	sst s4  }
0xd: {  	[smem:$0x3FAF] =	sst s5  }
0xe: {  	[smem:$0x3FB0] =	sst s6  }
0xf: {  	[smem:$0x3FB1] =	sst s7  }
0x10: {  	[smem:$0x3FB2] =	sst s8  }
0x11: {  	[smem:$0x3FB3] =	sst s9;
	s0 =	simm.s32 @!p0 $0x0  }
0x12: {  	s1 =	sld [smem:$0x3F99];
	s0 =	simm.s32 @p0 $0x1  }
0x13: {  	[smem:$0x3FB4] =	sst s0;
	s0 =	simm.s32 @!p1 $0x0  }
0x14: {  	s2 =	sld [smem:$0x3F98];
	s0 =	simm.s32 @p1 $0x1  }
0x15: {  	[smem:$0x3FB5] =	sst s0;
	s0 =	simm.s32 @!p2 $0x0  }
0x16: {  	s3 =	sld [smem:$0x3FDB];
	s0 =	simm.s32 @p2 $0x1  }
0x17: {  	s4 =	simm.s32 $0x1BF5;
	[smem:$0x3FB7] =	sst s0  }
0x18: {  	s0 =	sld [smem:$0x3F9A];
	_ =	swait.ge [sflag:s4], $0x0  }
0x19: {  	s7 =	sld [smem:$0x3F9B]  }
0x1a: {  	s8 =	sadd.s32 $0xFFFFE003, lr  }
0x1b: {  	s9 =	sadd.s32 $0xFFFFFEF7, lr;
	s5 =	simm.s32 $0xFFFFFFFF;
	p2 =	slt.u32 s8, $0xFFFFF086  }
0x1c: {  	p1 =	slt.u32 s9, $0xF7A;
	s5 =	simm.s32 @!p2 $0x0  }
0x1d: {  	s5 =	simm.s32 @p1 $0x1;
	p0 =	seq.s32 s7, s2  }
0x1e: {  	s7 =	smul.u32 @!p0 $0xF7A, s2;
	p2 =	seq.s32 @!p0 s5, $0x0  }
0x1f: {  	s9 =	smul.u32 $0xF7A, s1;
	s8 =	simm.s32 @!p0 $0x1BF5;
	p2 =	por !p2, p0  }
0x20: {  	[sflag:s8] =	ssyncset.s32 @!p0 $0xFFFFF086;
	s6 =	sadd.s32 @!p0 s3, s7;
	s7 =	simm.s32 @!p0 $0x108  }
0x21: {  	s3 =	sadd.s32 s3, s9;
	s6 =	sadd.s32 @!p0 $0x88, s6;
	s7 =	simm.s32 @p2 $0x1082  }
0x22: {  	[simem:s7], [sflag:s8] =	dma.local @!p0 [hbm:s6], $0xF7A  }
0x23: {  	s9 =	sor.u32 $0xD0000000, s2;
	s6 =	simm.s32 $0x108;
	_ =	swait.ge @!p0 [sflag:s8], $0x0  }
0x24: {  	s3 =	sadd.s32 $0x88, s3;
	s6 =	simm.s32 @!p1 $0x1082;
	[sflag:s4] =	ssyncset.s32 $0xFFFFF086  }
0x25: {  	[simem:s6], [sflag:s4] =	dma.local [hbm:s3], $0xF7A  }
0x26: {  	[smem:$0x3F9B] =	sst s1;
	(tag) =	ssettag s2;
	_ =	strace s9  }
0x27: {  	s1 =	sld [smem:$0x3FAB]  }
0x28: {  	s2 =	sld [smem:$0x3FAC]  }
0x29: {  	s4 =	sld [smem:$0x3FAE]  }
0x2a: {  	p0 =	seq.s32 s5, $0x0;
	s5 =	sld [smem:$0x3FAF]  }
0x2b: {  	s6 =	sld [smem:$0x3FB0]  }
0x2c: {  	s7 =	sld [smem:$0x3FB1]  }
0x2d: {  	s3 =	simm.s32 $0x108;
	s8 =	sld [smem:$0x3FB2]  }
0x2e: {  	s3 =	simm.s32 @!p0 $0x1082;
	s9 =	sld [smem:$0x3FB3]  }
0x2f: {  	lr =	sadd.s32 s0, s3;
	s0 =	sld [smem:$0x3FAA]  }
0x30: {  	s3 =	sld [smem:$0x3FAD]  }
0x31: {  	[smem:$0x3FB6] =	sst s10  }
0x32: {  	s10 =	sld [smem:$0x3FB4];
	_ =	sdelay $0x3  }
0x33: {  	p0 =	seq.s32 s10, $0x1;
	s10 =	sld [smem:$0x3FB6];
	_ =	sdelay $0x3  }
0x34: {  	[smem:$0x3FB6] =	sst s10  }
0x35: {  	s10 =	sld [smem:$0x3FB5];
	_ =	sdelay $0x3  }
0x36: {  	p1 =	seq.s32 s10, $0x1;
	s10 =	sld [smem:$0x3FB6];
	_ =	sdelay $0x3  }
0x37: {  	[smem:$0x3FB6] =	sst s10  }
0x38: {  	s10 =	sld [smem:$0x3FB7]  }
0x39: {  	_ = 	snop;
	(pc) =	sbr.ind lr, $3  }
0x3a: {  	_ = 	snop  }
0x3b: {  	_ = 	snop  }
0x3c: {  	p2 =	seq.s32 s10, $0x1;
	s10 =	sld [smem:$0x3FB6]  }
0x3d: {  	_ =	shalt  }
0x3e: {  	_ =	shalt  }
0x3f: {  	_ =	shalt  }
0x40: {  	_ =	shalt  }
0x41: {  	_ =	shalt  }
0x42: {  	_ =	shalt  }
0x43: {  	_ =	shalt  }
0x44: {  	_ =	shalt  }
0x45: {  	_ =	shalt  }
0x46: {  	_ =	shalt  }
0x47: {  	_ =	shalt  }
0x48: {  	_ =	shalt  }
0x49: {  	_ =	shalt  }
0x4a: {  	_ =	shalt  }
0x4b: {  	_ =	shalt  }
0x4c: {  	_ =	shalt  }
0x4d: {  	_ =	shalt  }
0x4e: {  	_ =	shalt  }
0x4f: {  	_ =	shalt  }
0x50: {  	_ =	shalt  }
0x51: {  	_ =	shalt  }
0x52: {  	_ =	shalt  }
0x53: {  	_ =	shalt  }
0x54: {  	_ =	shalt  }
0x55: {  	_ =	shalt  }
0x56: {  	_ =	shalt  }
0x57: {  	_ =	shalt  }
0x58: {  	_ =	shalt  }
0x59: {  	_ =	shalt  }
0x5a: {  	_ =	shalt  }
0x5b: {  	_ =	shalt  }
0x5c: {  	_ =	shalt  }
0x5d: {  	_ =	shalt  }
0x5e: {  	_ =	shalt  }
0x5f: {  	_ =	shalt  }
0x60: {  	_ =	shalt  }
0x61: {  	_ =	shalt  }
0x62: {  	_ =	shalt  }
0x63: {  	_ =	shalt  }
0x64: {  	_ =	shalt  }
0x65: {  	_ =	shalt  }
0x66: {  	_ =	shalt  }
0x67: {  	_ =	shalt  }
0x68: {  	_ =	shalt  }
0x69: {  	_ =	shalt  }
0x6a: {  	_ =	shalt  }
0x6b: {  	_ =	shalt  }
0x6c: {  	_ =	shalt  }
0x6d: {  	_ =	shalt  }
0x6e: {  	_ =	shalt  }
0x6f: {  	_ =	shalt  }
0x70: {  	_ =	shalt  }
0x71: {  	_ =	shalt  }
0x72: {  	_ =	shalt  }
0x73: {  	_ =	shalt  }
0x74: {  	_ =	shalt  }
0x75: {  	_ =	shalt  }
0x76: {  	_ =	shalt  }
0x77: {  	_ =	shalt  }
0x78: {  	_ =	shalt  }
0x79: {  	_ =	shalt  }
0x7a: {  	_ =	shalt  }
0x7b: {  	_ =	shalt  }
0x7c: {  	_ =	shalt  }
0x7d: {  	_ =	shalt  }
0x7e: {  	_ =	shalt  }
0x7f: {  	_ =	shalt  }
0x80: {  	_ =	shalt  }
0x81: {  	_ =	shalt  }
0x82: {  	_ =	shalt  }
0x83: {  	_ =	shalt  }
0x84: {  	_ =	shalt  }
0x85: {  	_ =	shalt  }
0x86: {  	_ =	shalt  }
0x87: {  	_ =	shalt  }
.Lfunc_end0:
.L_simem_size_0:
called_computation_lowered:
.L_overlay_start_0:
0x88: {  	s2 =	sld [smem:$0x3FD9]  }
0x89: {  	s3 =	sld [smem:$0x3FFE];
	_ =	sdelay $0x1  }
0x8a: {  	s1 =	srdreg.scid  }
0x8b: {  	s0 =	sand.u32 $0x1, s1  }
0x8c: {  	s17 =	sshll.u32 s0, $0xA;
	s2 =	sadd.s32 s3, s2  }
0x8d: {  	s2 =	sadd.s32 s2, s17  }
0x8e: {  	[smem:$0x3FC2] =	sst s2  }
0x8f: {  	_ = 	snop  }
0x90: {  	s2 =	sld [smem:$0x3FD0];
	(tm) =	ssettm $0x1  }
0x91: {  	s18 =	sld [smem:$0x3FFB];
	_ =	sdelay $0x3  }
0x92: {  	_ =	strace s18  }
0x93: {  	s3 =	sld [smem:$0x3FFC];
	_ =	sdelay $0x3  }
0x94: {  	_ =	strace s3  }
0x95: {  	s3 =	sld [smem:$0x3FFD];
	_ =	sdelay $0x3  }
0x96: {  	_ =	strace s3  }
0x97: {  	_ =	strace $0x8FFFFFFF  }
0x98: {  	s19 =	sld [smem:$0x3FDB];
	_ =	sdelay $0x1  }
0x99: {  	s4 =	simm.s32 $_scs_section_size  }
0x9a: {  	s5 =	simm.s32 $_size__tile_overlayer_lowered;
	s6 =	simm.s32 $_tile_overlayer_lowered  }
0x9b: {  	s22 =	simm.s32 $0x1BFF;
	s21 =	sshll.u32 s6, $0x1;
	s3 =	sadd.s32 s4, s19  }
0x9c: {  	s7 =	simm.s32 $0x0;
	s20 =	sshll.u32 s5, $0x1;
	s5 =	sadd.s32 s21, s3  }
0x9d: {  	[timem:s7], [sflag:s22] =	dma.local [hbm:s5], s20  }
0x9e: {  	_ =	swait.ge [sflag:s22], s20  }
0x9f: {  	s4 =	ssub.s32 $0x0, s20;
	[sflag:s22] =	ssyncset.done $0x0  }
0xa0: {  	[sflag:s22] =	ssyncadd.s32 s4;
	_ =	sdelay $0x1  }
0xa1: {  	s23 =	simm.s32 $0x1B8B  }
0xa2: {  	_ =	swait.ge [sflag:s23], $0x1  }
0xa3: {  	[sflag:s23] =	ssyncset.done $0x0  }
0xa4: {  	s25 =	simm.s32 $0x1B8E;
	s24 =	sld [smem:$0x3FFE];
	[sflag:s23] =	ssyncadd.s32 $0xFFFFFFFF  }
0xa5: {  	s26 =	simm.s32 $execute0_lowered;
	[smem:$0x3FD2] =	sst s25  }
0xa6: {  	s5 =	sshll.u32 s26, $0x1;
	_ =	strace $0x80000046;
	[dreg:$0x1] =	wrdreg $0xFFFFFFFF  }
0xa7: {  	s28 =	simm.s32 $_size_execute0_lowered;
	s3 =	sadd.s32 s3, s5;
	[dreg:$0x0] =	wrdreg $0x0  }
0xa8: {  	s5 =	sshll.u32 s28, $0x1;
	[dreg:$0x2] =	wrdreg s3  }
0xa9: {  	[dreg:$0x3] =	wrdreg s5  }
0xaa: {  	[dreg:$0x4] =	wrdreg $0xC0  }
0xab: {  	_ =	task [dreg:s7], $0x5FFFF  }
0xac: {  	[dreg:$0x1] =	wrdreg $0xFFFFFFFF  }
0xad: {  	[dreg:$0x0] =	wrdreg $0x60  }
0xae: {  	[dreg:$0x2] =	wrdreg s24  }
0xaf: {  	[dreg:$0x3] =	wrdreg s2  }
0xb0: {  	[dreg:$0x4] =	wrdreg $0x1AF000  }
0xb1: {  	[dreg:$0x5] =	wrdreg $0x9  }
0xb2: {  	_ =	task.clear_ibuf [dreg:s7], $0x6FFFF;
	_ =	strace $0x90000046  }
0xb3: {  	s29 =	simm.s32 $0x9;
	_ =	strace $0x80000048  }
0xb4: {  	_ =	swait.ge [sflag:s29], $0x1  }
0xb5: {  	[sflag:s29] =	ssyncadd.s32 $0xFFFFFFFF  }
0xb6: {  	_ =	strace $0x90000048  }
0xb7: {  	_ =	sfence  }
0xb8: {  	s30 =	sld [smem:$0x0];
	_ =	sdelay $0x2  }
0xb9: {  	s31 =	sshll.u32 s1, $0xD;
	s1 =	sshrl.u32 s1, $0x2  }
0xba: {  	s3 =	sand.u32 $0x4000, s31;
	s1 =	sadd.s32 s1, s30  }
0xbb: {  	s0 =	sor.u32 s3, s0;
	s1 =	sshll.u32 s1, $0x11  }
0xbc: {  	s0 =	sor.u32 s1, s0  }
0xbd: {  	s0 =	sadd.s32 $0x8F2B, s0  }
0xbe: {  	[sflag:s0] =	ssyncadd.remote.s32 $0x1  }
0xbf: {  	_ =	sfence.sel $0xFFFF  }
0xc0: {  	[dreg:$0x0] =	wrdreg $0xFFFFFFFF;
	(pc) =	sbr.abs _section_cstart, $3  }
0xc1: {  	[dreg:$0x1] =	wrdreg $0xFFFFFFFF  }
0xc2: {  	_ =	task.clear_ibuf [dreg:s7], $0x2FFFF;
	_ =	strace $0x9FFFFFFF  }
0xc3: {  	(tm) =	ssettm $0x7FFFFFFF  }
tec
execute0_lowered:
.L_overlay_start_1:
0x0: {  	(tag) =	ssettag $0x1  }
0x1: {  	s0 =	rddreg [dreg:$0x0]  }
0x2: {  	s1 =	rddreg [dreg:$0x1]  }
0x3: {  	s2 =	rddreg [dreg:$0x2]  }
0x4: {  	s4 =	srdreg.scid;
	s3 =	simm.s32 $0x0;
	s8 =	stileid.u32  }
0x5: {  	s12 =	simm.s32 $0x2700;
	s14 =	simm.s32 $0x680;
	s15 =	simm.s32 $0x4F00  }
0x6: {  	s16 =	simm.s32 $0xB700;
	s18 =	simm.s32 $0x11F00;
	s20 =	simm.s32 $0x7  }
0x7: {  	s21 =	simm.s32 $0x4;
	s23 =	simm.s32 $0x2;
	s25 =	simm.s32 $0x5  }
0x8: {  	s28 =	simm.s32 $0x3;
	s30 =	simm.s32 $0x6;
	s17 =	simm.s32 $0x4780  }
0x9: {  	s19 =	simm.s32 $0x0;
	s5 =	sand.u32 $0x1, s4;
	[smem:$0x7FF] =	sst s3  }
0xa: {  	s7 =	smul.u32 $0x2800, s8;
	s4 =	sshll.u32 s5, $0x4;
	_ =	strace $0x80000047  }
0xb: {  	s6 =	smul.u32 $0x28000, s5;
	s5 =	ssub.s32 $0x2, s5;
	s13 =	sor.u32 s8, s4  }
0xc: {  	s4 =	sadd.s32 $0x1C00, s0;
	s8 =	sshll.u32 s8, $0x4;
	s31 =	sshrl.u32 s5, $0x1  }
0xd: {  	s9 =	smul.u32 $0x2700, s13;
	s10 =	sadd.s32 s8, s0;
	s6 =	sadd.s32 s7, s6  }
0xe: {  	s11 =	ssub.s32 s5, s31;
	s7 =	sadd.s32 s7, s2;
	p0 =	sgt.u32 s13, $0x3  }
0xf: {  	s13 =	simm.s32 $0x1;
	s6 =	sshrl.u32 s6, $0x3;
	s8 =	sadd.s32 $0x1A00, s10  }
0x10: {  	s11 =	smax.u32 s11, $0x1;
	s9 =	sshrl.u32 s9, $0x3;
	s0 =	sadd.s32 s6, s0  }
0x11: {  	s5 =	sadd.s32 s1, s9;
	s9 =	sadd.s32 $0x1A40, s10;
	s10 =	sadd.s32 $0x6C00, s0  }
0x12: {  	v0 =	vimm.f32 $0.0e+00;
	s0 =	simm.s32 $0x3A80;
	s1 =	simm.s32 $0x4100;
	s6 =	sadd.s32 $0x9C00, s5  }
.LBB2_1:
0x13: {  	[tilespmem:s3], [sflag:$0x1] =	stream.linear.gather [hbm4b:s5+s3], $0x2700, $0x38;
	[tilespmem:$0x1D700] =	vst v63  }
0x14: {  	s22 =	simm.s32 $0x40;
	s24 =	simm.s32 $0x0  }
0x15: {  	[tilespmem:s12], [sflag:$0x4] =	stream.linear.gather [hbm4b:s6+s3], $0x2700, $0x38;
	[tilespmem:$0x1D700] =	vst v63  }
.LBB2_2:
0x16: {  	p1 =	sne.s32 s22, $0x9FC0;
	[tilespmem:s24+$0x18700] =	vst v0;
	s24 =	smov.u32 s22;
	s22 =	sadd.s32 $0x40, s22  }
.Ltmp0:
0x17: {  	(pc) =	sbr.rel @p1 .LBB2_2-.Ltmp0, $2  }
0x18: {  	_ =	sdelay $0x2  }
0x19: {  	s24 =	sshra.s32 s24, $0x2  }
0x1a: {  	[tilespmem:s24+$0x18700] =	vst v0  }
0x1b: {  	_ =	swait.ge [sflag:s13], $0x2700  }
0x1c: {  	[sflag:s13] =	ssyncset.done $0x0  }
0x1d: {  	[sflag:s13] =	ssyncadd.s32 $0xFFFFD900  }
0x1e: {  	[tilespmem:s15], [sflag:$0x1] =	stream.indirect.gather [hbm4b:s4+s14], $0x10, s3, s14, $0xb8;
	[tilespmem:$0x1D700] =	vst v63  }
0x1f: {  	_ = 	snop  }
0x20: {  	[tilespmem:s16], [sflag:$0x2] =	stream.indirect.gather [hbm4b:s4+s14], $0x10, s14, s14, $0xb8;
	[tilespmem:$0x1D700] =	vst v63  }
0x21: {  	s22 =	simm.s32 $0xD00  }
0x22: {  	[tilespmem:s18], [sflag:$0x3] =	stream.indirect.gather [hbm4b:s4+s14], $0x10, s22, s14, $0xb8;
	[tilespmem:$0x1D700] =	vst v63  }
0x23: {  	s29 =	simm.s32 $0x18700  }
0x24: {  	[spmem:s7] =	stream.linear.scatter [tilespmem:s29], [sflag:$0x7], $0x2800, $0x38;
	[tilespmem:$0x1D700] =	vst v63  }
0x25: {  	_ =	swait.ge [sflag:s20], $0x2800  }
0x26: {  	[sflag:s20] =	ssyncset.done $0x0  }
0x27: {  	[sflag:s20] =	ssyncadd.s32 $0xFFFFD800  }
0x28: {  	_ =	swait.ge [sflag:s21], $0x2700  }
0x29: {  	s24 =	simm.s32 @!p0 $0x0;
	[sflag:s21] =	ssyncset.done $0x0  }
0x2a: {  	s26 =	simm.s32 @!p0 $0x4E00;
	s22 =	simm.s32 @!p0 $0x7;
	[sflag:s21] =	ssyncadd.s32 $0xFFFFD900  }
0x2b: {  	[tilespmem:s26], [sflag:$0x7] =	stream.linear.gather @!p0 [hbm4b:s8+s24], $0x80, $0x38;
	[tilespmem:$0x1D700] =	vst v63  }
0x2c: {  	_ =	swait.ge @!p0 [sflag:s22], $0x80  }
0x2d: {  	[sflag:s22] =	ssyncset.done @!p0 $0x0  }
0x2e: {  	s29 =	simm.s32 @!p0 $0x4E80;
	[sflag:s22] =	ssyncadd.s32 @!p0 $0xFFFFFF80  }
0x2f: {  	[tilespmem:s29], [sflag:$0x7] =	stream.linear.gather @!p0 [hbm4b:s9+s24], $0x80, $0x38;
	[tilespmem:$0x1D700] =	vst v63  }
0x30: {  	_ =	swait.ge @!p0 [sflag:s22], $0x80  }
0x31: {  	[sflag:s22] =	ssyncset.done @!p0 $0x0  }
0x32: {  	[sflag:s22] =	ssyncadd.s32 @!p0 $0xFFFFFF80  }
0x33: {  	[bflag:$0x0] =	sbarrier.arrive $0xFFFF  }
0x34: {  	_ =	swait.ge [sflag:s13], $0x6800  }
0x35: {  	[sflag:s13] =	ssyncset.done $0x0  }
0x36: {  	[sflag:s13] =	ssyncadd.s32 $0xFFFF9800  }
0x37: {  	[spmem:s2] =	stream.indirect.scatter.add.f32 [tilespmem:s15], [sflag:$0x4], $0x10, s12, s14, $0xb8;
	[tilespmem:$0x1D700] =	vst v63  }
0x38: {  	_ =	swait.ge [sflag:s21], $0x6800  }
0x39: {  	[sflag:s21] =	ssyncset.done $0x0  }
0x3a: {  	s31 =	simm.s32 $0x1380;
	[sflag:s21] =	ssyncadd.s32 $0xFFFF9800  }
0x3b: {  	[tilespmem:s15], [sflag:$0x1] =	stream.indirect.gather [hbm4b:s4+s14], $0x10, s31, s14, $0xb8;
	[tilespmem:$0x1D700] =	vst v63  }
0x3c: {  	_ =	swait.ge [sflag:s23], $0x6800  }
0x3d: {  	[sflag:s23] =	ssyncset.done $0x0  }
0x3e: {  	s31 =	simm.s32 $0x2D80;
	[sflag:s23] =	ssyncadd.s32 $0xFFFF9800  }
0x3f: {  	[spmem:s2] =	stream.indirect.scatter.add.f32 [tilespmem:s16], [sflag:$0x5], $0x10, s31, s14, $0xb8;
	[tilespmem:$0x1D700] =	vst v63  }
0x40: {  	_ =	swait.ge [sflag:s25], $0x6800  }
0x41: {  	[sflag:s25] =	ssyncset.done $0x0  }
0x42: {  	s31 =	simm.s32 $0x1A00;
	[sflag:s25] =	ssyncadd.s32 $0xFFFF9800  }
0x43: {  	[tilespmem:s16], [sflag:$0x2] =	stream.indirect.gather [hbm4b:s4+s14], $0x10, s31, s14, $0xb8;
	[tilespmem:$0x1D700] =	vst v63  }
0x44: {  	_ =	swait.ge [sflag:s28], $0x6800  }
0x45: {  	[sflag:s28] =	ssyncset.done $0x0  }
0x46: {  	s31 =	simm.s32 $0x3400;
	[sflag:s28] =	ssyncadd.s32 $0xFFFF9800  }
0x47: {  	[spmem:s2] =	stream.indirect.scatter.add.f32 [tilespmem:s18], [sflag:$0x6], $0x10, s31, s14, $0xb8;
	[tilespmem:$0x1D700] =	vst v63  }
0x48: {  	_ =	swait.ge [sflag:s30], $0x6800  }
0x49: {  	[sflag:s30] =	ssyncset.done $0x0  }
0x4a: {  	s31 =	simm.s32 $0x2080;
	[sflag:s30] =	ssyncadd.s32 $0xFFFF9800  }
0x4b: {  	[tilespmem:s18], [sflag:$0x3] =	stream.indirect.gather [hbm4b:s4+s14], $0x10, s31, s14, $0xb8;
	[tilespmem:$0x1D700] =	vst v63  }
0x4c: {  	_ =	swait.ge [sflag:s13], $0x6800  }
0x4d: {  	[sflag:s13] =	ssyncset.done $0x0  }
0x4e: {  	[sflag:s13] =	ssyncadd.s32 $0xFFFF9800  }
0x4f: {  	[spmem:s2] =	stream.indirect.scatter.add.f32 [tilespmem:s15], [sflag:$0x4], $0x10, s0, s14, $0xb8;
	[tilespmem:$0x1D700] =	vst v63  }
0x50: {  	_ =	swait.ge [sflag:s23], $0x6800  }
0x51: {  	[sflag:s23] =	ssyncset.done $0x0  }
0x52: {  	[sflag:s23] =	ssyncadd.s32 $0xFFFF9800  }
0x53: {  	[spmem:s2] =	stream.indirect.scatter.add.f32 [tilespmem:s16], [sflag:$0x5], $0x10, s1, s14, $0xb8;
	[tilespmem:$0x1D700] =	vst v63  }
0x54: {  	_ =	swait.ge [sflag:s28], $0x6800  }
0x55: {  	[sflag:s28] =	ssyncset.done $0x0  }
0x56: {  	[sflag:s28] =	ssyncadd.s32 $0xFFFF9800  }
0x57: {  	[spmem:s2] =	stream.indirect.scatter.add.f32 [tilespmem:s18], [sflag:$0x6], $0x10, s17, s14, $0xb8;
	[tilespmem:$0x1D700] =	vst v63  }
0x58: {  	_ =	swait.ge [sflag:s21], $0x6800  }
0x59: {  	[sflag:s21] =	ssyncset.done $0x0  }
0x5a: {  	[sflag:s21] =	ssyncadd.s32 $0xFFFF9800  }
0x5b: {  	_ =	swait.ge [sflag:s25], $0x6800  }
0x5c: {  	[sflag:s25] =	ssyncset.done $0x0  }
0x5d: {  	[sflag:s25] =	ssyncadd.s32 $0xFFFF9800  }
0x5e: {  	_ =	swait.ge [sflag:s30], $0x6800  }
0x5f: {  	[sflag:s30] =	ssyncset.done $0x0  }
0x60: {  	s24 =	simm.s32 @!p0 $0x80;
	s31 =	simm.s32 @!p0 $0x4F00;
	[sflag:s30] =	ssyncadd.s32 $0xFFFF9800  }
0x61: {  	[tilespmem:s31], [sflag:$0x7] =	stream.indirect.gather @!p0 [hbm4b:s4+s24], $0x10, s26, s24, $0xb8;
	[tilespmem:$0x1D700] =	vst v63  }
0x62: {  	_ =	swait.ge @!p0 [sflag:s22], $0x800  }
0x63: {  	[sflag:s22] =	ssyncset.done @!p0 $0x0  }
0x64: {  	[sflag:s22] =	ssyncadd.s32 @!p0 $0xFFFFF800  }
0x65: {  	[spmem:s2] =	stream.indirect.scatter.add.f32 @!p0 [tilespmem:s31], [sflag:$0x7], $0x10, s29, s24, $0xb8;
	[tilespmem:$0x1D700] =	vst v63  }
0x66: {  	s19 =	sadd.s32 $0x1, s19;
	_ =	swait.ge @!p0 [sflag:s22], $0x800  }
0x67: {  	p1 =	sne.s32 s19, s11;
	s29 =	stileid.u32;
	[sflag:s22] =	ssyncset.done @!p0 $0x0  }
0x68: {  	s31 =	sshrl.u32 s7, $0x3;
	[sflag:s22] =	ssyncadd.s32 @!p0 $0xFFFFF800;
	s22 =	sshll.u32 s29, $0x6  }
.Ltmp1:
0x69: {  	[bflag:$0x0] =	sbarrier.arrive $0xFFFF;
	s22 =	sor.u32 $0x1C07, s22;
	(pc) =	sbr.rel @p1 .LBB2_1-.Ltmp1, $4  }
0x6a: {  	[hbm:s10], [sflag:s22] =	dma.local [spmem:s31], $0x500  }
0x6b: {  	_ =	swait.ge [sflag:s20], $0x500  }
0x6c: {  	[sflag:s20] =	ssyncset.done $0x0  }
0x6d: {  	[sflag:s20] =	ssyncadd.s32 $0xFFFFFB00  }
0x6e: {  	_ =	sfence.sel $0x180000  }
0x6f: {  	[bflag:$0x0] =	sbarrier.arrive $0xFFFF  }
0x70: {  	_ =	strace $0x90000047  }
0x71: {  	s0 =	stileid.u32;
	[bflag:$0x2] =	sbarrier.arrive $0xFFFF  }
0x72: {  	p0 =	sne.s32 s0, $0x0;
	s0 =	rddreg [dreg:$0x3]  }
0x73: {  	s0 =	sadd.s32 @!p0 $0x100000, s0  }
0x74: {  	[sflag:s0] =	ssyncadd.tile.s32 @!p0 $0x1;
	_ =	shalt  }
.Lfunc_end2:
_tile_overlayer_lowered:
.L_overlay_start_2:
0x75: {  	(tag) =	ssettag $0x2  }
0x76: {  	s0 =	rddreg [dreg:$0x0];
	s2 =	stileid.u32  }
0x77: {  	s1 =	rddreg [dreg:$0x1];
	p0 =	sne.s32 s2, $0x0  }
0x78: {  	s3 =	rddreg [dreg:$0x2];
	[bflag:$0x3] =	sbarrier.arrive $0xFFFF;
	s2 =	simm.s32 @!p0 $0x1C07  }
0x79: {  	[timem:s3], [sflag:s2] =	dma.local @!p0 [hbm:s0], s1  }
0x7a: {  	s0 =	simm.s32 @!p0 $0x7  }
0x7b: {  	_ =	swait.ge @!p0 [sflag:s0], s1  }
0x7c: {  	s1 =	ssub.s32 @!p0 $0x0, s1;
	[sflag:s0] =	ssyncset.done @!p0 $0x0  }
0x7d: {  	[sflag:s0] =	ssyncadd.s32 @!p0 s1  }
0x7e: {  	[bflag:$0x3] =	sbarrier.arrive $0xFFFF  }
0x7f: {  	_ =	shalt  }

</sc_bundles>
